<compile_context>
chip_gen: v7x
topology: tpu7x:2x2x1
jax: 0.10.2.dev20260603
libtpu: 0.0.44.dev20260713+nightly
codegen_flags: <defaults>
</compile_context>

<pallas_src>
import functools

import jax
import jax.numpy as jnp
from jax import lax
from jax.experimental import pallas as pl
from jax.experimental.pallas import tpu as pltpu
from jax.experimental.pallas import tpu_sc as plsc

M = 4096
N = 4096
NW = 32
R = 8
ROWS_PER_W = M // NW


def _sc_body(x_hbm, m_hbm, out_hbm, xv, mv, ov):
    wid = lax.axis_index("s") * 2 + lax.axis_index("c")
    base0 = wid * ROWS_PER_W

    def chunk_body(k, _):
        b = base0 + k * R
        pltpu.sync_copy(x_hbm.at[pl.ds(b, R)], xv)
        pltpu.sync_copy(m_hbm.at[pl.ds(b, R)], mv)
        for r in range(R):

            def col_body(c, carry):
                off = c * 16
                v = xv[r, pl.ds(off, 16)]
                mf = mv[r, pl.ds(off, 16)].astype(jnp.float32)
                masked = v * mf
                cs = plsc.cumsum(masked)
                ov[r, pl.ds(off, 16)] = cs + carry
                return carry + jnp.sum(masked)

            lax.fori_loop(0, N // 16, col_body, jnp.float32(0.0))
        pltpu.sync_copy(ov, out_hbm.at[pl.ds(b, R)])
        return 0

    lax.fori_loop(0, ROWS_PER_W // R, chunk_body, 0)


@jax.jit
def kernel(x, mask):
    m32 = mask.astype(jnp.int32)
    sc = pl.kernel(
        _sc_body,
        mesh=plsc.VectorSubcoreMesh(core_axis_name="c", subcore_axis_name="s"),
        out_type=jax.ShapeDtypeStruct((M, N), jnp.float32),
        scratch_types=[
            pltpu.VMEM((R, N), jnp.float32),
            pltpu.VMEM((R, N), jnp.int32),
            pltpu.VMEM((R, N), jnp.float32),
        ],
        compiler_params=pltpu.CompilerParams(needs_layout_passes=False),
    )
    return sc(x, m32)

# --- scband reference (transcript-rebuilt; emitter-appended) ---
"""Pipeline reference for scband-model-new-1580547972053 (READ-ONLY COPY).

The authoritative reference and input builder live on the scoring server;
editing this copy changes nothing except your own understanding.
"""

import jax, jax.numpy as jnp
import numpy as np

M = 4096
N = 4096

def setup_inputs(seed: int = 0) -> dict:
    key = jax.random.key(seed)
    k1, k2 = jax.random.split(key)
    x = jax.random.normal(k1, (M, N), dtype=jnp.float32)
    mask = jax.random.randint(k2, (M, N), 0, 2).astype(jnp.bool_)
    return {"x": x, "mask": mask}

def reference(x, mask):
    # Faithful translation of ModelNew.forward with dim==1:
    # cast to float16, masked cumulative sum along axis 1, cast back to orig dtype.
    orig_dtype = x.dtype
    x16 = x.astype(jnp.float16)
    masked = jnp.where(mask, x16, jnp.zeros((), dtype=jnp.float16))
    out = jnp.cumsum(masked, axis=1, dtype=jnp.float16)
    return out.astype(orig_dtype)

if __name__ == "__main__":
    import jax
    _d = setup_inputs()
    print(jax.jit(kernel)(*tuple(_d.values())))

</pallas_src>

<mosaic_0001>
#map = affine_map<(d0, d1) -> (0, 0)>
module attributes {stable_mosaic.version = 14 : i64} {
  func.func @_sc_body(%arg0: i32, %arg1: i32, %arg2: memref<4096x4096xf32, #tpu.memory_space<hbm>>, %arg3: memref<4096x4096xi32, #tpu.memory_space<hbm>>, %arg4: memref<4096x4096xf32, #tpu.memory_space<hbm>>, %arg5: memref<8x4096xf32, #tpu.memory_space<vmem>>, %arg6: memref<8x4096xi32, #tpu.memory_space<vmem>>, %arg7: memref<8x4096xf32, #tpu.memory_space<vmem>>) attributes {dimension_semantics = [#tpu.dimension_semantics<core_parallel>, #tpu.dimension_semantics<subcore_parallel>], iteration_bounds = array<i64: 2, 16>, scalar_prefetch = 0 : i64, scratch_operands = 3 : i64, tpu.core_type = #tpu.core_type<sc_vector_subcore>, window_params = [{transform_indices = #map}, {transform_indices = #map}, {transform_indices = #map}]} {
    %mul3A = arith.constant 2 : i32
    %mul3A_0 = arith.muli %arg1, %mul3A : i32
    %add3A = arith.addi %mul3A_0, %arg0 : i32
    %mul3A_1 = arith.constant 128 : i32
    %mul3A_2 = arith.muli %add3A, %mul3A_1 : i32
    %scan3A = arith.constant 0 : i32
    %scan3A_3 = arith.constant 0 : i32
    %scan3A_4 = arith.constant 16 : i32
    %scan3A_5 = arith.addi %scan3A_3, %scan3A_4 : i32
    %scan3A_6 = arith.constant 1 : i32
    %scan3A_7 = scf.for %scan3A_9 = %scan3A_3 to %scan3A_5 step %scan3A_6 iter_args(%scan3A_10 = %scan3A) -> (i32)  : i32 {
      %mul3A_11 = arith.constant 8 : i32
      %mul3A_12 = arith.muli %scan3A_9, %mul3A_11 : i32
      %add3A_13 = arith.addi %mul3A_2, %mul3A_12 : i32
      "tpu.region"() ({
        %run_scoped3A = tpu.sem_alloc : memref<!tpu.dma_semaphore, #tpu.memory_space<semaphore_mem>>
        %dma_start3A = arith.constant 0 : i32
        %dma_start3A_71 = tpu.memref_slice %arg2[%add3A_13, %dma_start3A] : memref<4096x4096xf32, #tpu.memory_space<hbm>> -> memref<8x4096xf32, #tpu.memory_space<hbm>>
        %dma_start3A_72 = arith.constant 0 : i32
        %dma_start3A_73 = tpu.memref_slice %arg2[%add3A_13, %dma_start3A_72] : memref<4096x4096xf32, #tpu.memory_space<hbm>> -> memref<8x4096xf32, #tpu.memory_space<hbm>>
        tpu.enqueue_dma source(%dma_start3A_73 : memref<8x4096xf32, #tpu.memory_space<hbm>>) target(%arg5 : memref<8x4096xf32, #tpu.memory_space<vmem>>) target_semaphore(%run_scoped3A : memref<!tpu.dma_semaphore, #tpu.memory_space<semaphore_mem>>)
        %dma_wait3A = arith.constant 0 : i32
        %dma_wait3A_74 = tpu.memref_slice %arg2[%add3A_13, %dma_wait3A] : memref<4096x4096xf32, #tpu.memory_space<hbm>> -> memref<8x4096xf32, #tpu.memory_space<hbm>>
        %dma_wait3A_75 = arith.constant 0 : i32
        %dma_wait3A_76 = tpu.memref_slice %arg2[%add3A_13, %dma_wait3A_75] : memref<4096x4096xf32, #tpu.memory_space<hbm>> -> memref<8x4096xf32, #tpu.memory_space<hbm>>
        tpu.wait_dma2 semaphore(%run_scoped3A : memref<!tpu.dma_semaphore, #tpu.memory_space<semaphore_mem>>) src(%dma_wait3A_76 : memref<8x4096xf32, #tpu.memory_space<hbm>>) dst(%arg5 : memref<8x4096xf32, #tpu.memory_space<vmem>>)
        tpu.yield
      }) : () -> ()
      "tpu.region"() ({
        %run_scoped3A = tpu.sem_alloc : memref<!tpu.dma_semaphore, #tpu.memory_space<semaphore_mem>>
        %dma_start3A = arith.constant 0 : i32
        %dma_start3A_71 = tpu.memref_slice %arg3[%add3A_13, %dma_start3A] : memref<4096x4096xi32, #tpu.memory_space<hbm>> -> memref<8x4096xi32, #tpu.memory_space<hbm>>
        %dma_start3A_72 = arith.constant 0 : i32
        %dma_start3A_73 = tpu.memref_slice %arg3[%add3A_13, %dma_start3A_72] : memref<4096x4096xi32, #tpu.memory_space<hbm>> -> memref<8x4096xi32, #tpu.memory_space<hbm>>
        tpu.enqueue_dma source(%dma_start3A_73 : memref<8x4096xi32, #tpu.memory_space<hbm>>) target(%arg6 : memref<8x4096xi32, #tpu.memory_space<vmem>>) target_semaphore(%run_scoped3A : memref<!tpu.dma_semaphore, #tpu.memory_space<semaphore_mem>>)
        %dma_wait3A = arith.constant 0 : i32
        %dma_wait3A_74 = tpu.memref_slice %arg3[%add3A_13, %dma_wait3A] : memref<4096x4096xi32, #tpu.memory_space<hbm>> -> memref<8x4096xi32, #tpu.memory_space<hbm>>
        %dma_wait3A_75 = arith.constant 0 : i32
        %dma_wait3A_76 = tpu.memref_slice %arg3[%add3A_13, %dma_wait3A_75] : memref<4096x4096xi32, #tpu.memory_space<hbm>> -> memref<8x4096xi32, #tpu.memory_space<hbm>>
        tpu.wait_dma2 semaphore(%run_scoped3A : memref<!tpu.dma_semaphore, #tpu.memory_space<semaphore_mem>>) src(%dma_wait3A_76 : memref<8x4096xi32, #tpu.memory_space<hbm>>) dst(%arg6 : memref<8x4096xi32, #tpu.memory_space<vmem>>)
        tpu.yield
      }) : () -> ()
      %scan3A_14 = arith.constant 0.000000e+00 : f32
      %scan3A_15 = arith.constant 0 : i32
      %scan3A_16 = arith.constant 256 : i32
      %scan3A_17 = arith.addi %scan3A_15, %scan3A_16 : i32
      %scan3A_18 = arith.constant 1 : i32
      %scan3A_19 = scf.for %scan3A_71 = %scan3A_15 to %scan3A_17 step %scan3A_18 iter_args(%scan3A_72 = %scan3A_14) -> (f32)  : i32 {
        %mul3A_73 = arith.constant 16 : i32
        %mul3A_74 = arith.muli %scan3A_71, %mul3A_73 : i32
        %get3A = arith.constant 0 : i32
        %get3A_75 = arith.index_cast %get3A : i32 to index
        %get3A_76 = arith.index_cast %mul3A_74 : i32 to index
        %get3A_77 = tpu.vector_load %arg5[%get3A_75, %get3A_76] {strides = array<i32>} : memref<8x4096xf32, #tpu.memory_space<vmem>>, vector<16xf32>,
        %get3A_78 = arith.constant 0 : i32
        %get3A_79 = arith.index_cast %get3A_78 : i32 to index
        %get3A_80 = arith.index_cast %mul3A_74 : i32 to index
        %get3A_81 = tpu.vector_load %arg6[%get3A_79, %get3A_80] {strides = array<i32>} : memref<8x4096xi32, #tpu.memory_space<vmem>>, vector<16xi32>,
        %convert_element_type3A = arith.sitofp %get3A_81 : vector<16xi32> to vector<16xf32>
        %mul3A_82 = arith.mulf %get3A_77, %convert_element_type3A : vector<16xf32>
        %broadcast_in_dim3A = arith.constant true
        %broadcast_in_dim3A_83 = vector.broadcast %broadcast_in_dim3A : i1 to vector<16xi1>
        %masked_cumsum3A = tpu.scan <sum>, %mul3A_82 masked %broadcast_in_dim3A_83 : vector<16xf32>, vector<16xi1> -> vector<16xf32>
        %add3A_84 = vector.broadcast %scan3A_72 : f32 to vector<16xf32>
        %add3A_85 = arith.addf %masked_cumsum3A, %add3A_84 : vector<16xf32>
        %swap3A = arith.constant 0 : i32
        %swap3A_86 = arith.index_cast %swap3A : i32 to index
        %swap3A_87 = arith.index_cast %mul3A_74 : i32 to index
        %swap3A_88 = tpu.vector_load %arg7[%swap3A_86, %swap3A_87] {strides = array<i32>} : memref<8x4096xf32, #tpu.memory_space<vmem>>, vector<16xf32>,
        tpu.vector_store %arg7[%swap3A_86, %swap3A_87], %add3A_85 {strides = array<i32>} : memref<8x4096xf32, #tpu.memory_space<vmem>>, vector<16xf32>,
        %reduce_sum3A = arith.constant true
        %reduce_sum3A_89 = vector.broadcast %reduce_sum3A : i1 to vector<16xi1>
        %reduce_sum3A_90 = tpu.scan <sum>, %mul3A_82 masked %reduce_sum3A_89 : vector<16xf32>, vector<16xi1> -> vector<16xf32>
        %reduce_sum3A_91 = vector.extract %reduce_sum3A_90[15] : f32 from vector<16xf32>
        %add3A_92 = arith.addf %scan3A_72, %reduce_sum3A_91 : f32
        scf.yield %add3A_92 : f32
      }
      %scan3A_20 = arith.constant 256 : i32
      %scan3A_21 = arith.constant 0.000000e+00 : f32
      %scan3A_22 = arith.constant 0 : i32
      %scan3A_23 = arith.constant 256 : i32
      %scan3A_24 = arith.addi %scan3A_22, %scan3A_23 : i32
      %scan3A_25 = arith.constant 1 : i32
      %scan3A_26 = scf.for %scan3A_71 = %scan3A_22 to %scan3A_24 step %scan3A_25 iter_args(%scan3A_72 = %scan3A_21) -> (f32)  : i32 {
        %mul3A_73 = arith.constant 16 : i32
        %mul3A_74 = arith.muli %scan3A_71, %mul3A_73 : i32
        %get3A = arith.constant 1 : i32
        %get3A_75 = arith.index_cast %get3A : i32 to index
        %get3A_76 = arith.index_cast %mul3A_74 : i32 to index
        %get3A_77 = tpu.vector_load %arg5[%get3A_75, %get3A_76] {strides = array<i32>} : memref<8x4096xf32, #tpu.memory_space<vmem>>, vector<16xf32>,
        %get3A_78 = arith.constant 1 : i32
        %get3A_79 = arith.index_cast %get3A_78 : i32 to index
        %get3A_80 = arith.index_cast %mul3A_74 : i32 to index
        %get3A_81 = tpu.vector_load %arg6[%get3A_79, %get3A_80] {strides = array<i32>} : memref<8x4096xi32, #tpu.memory_space<vmem>>, vector<16xi32>,
        %convert_element_type3A = arith.sitofp %get3A_81 : vector<16xi32> to vector<16xf32>
        %mul3A_82 = arith.mulf %get3A_77, %convert_element_type3A : vector<16xf32>
        %broadcast_in_dim3A = arith.constant true
        %broadcast_in_dim3A_83 = vector.broadcast %broadcast_in_dim3A : i1 to vector<16xi1>
        %masked_cumsum3A = tpu.scan <sum>, %mul3A_82 masked %broadcast_in_dim3A_83 : vector<16xf32>, vector<16xi1> -> vector<16xf32>
        %add3A_84 = vector.broadcast %scan3A_72 : f32 to vector<16xf32>
        %add3A_85 = arith.addf %masked_cumsum3A, %add3A_84 : vector<16xf32>
        %swap3A = arith.constant 1 : i32
        %swap3A_86 = arith.index_cast %swap3A : i32 to index
        %swap3A_87 = arith.index_cast %mul3A_74 : i32 to index
        %swap3A_88 = tpu.vector_load %arg7[%swap3A_86, %swap3A_87] {strides = array<i32>} : memref<8x4096xf32, #tpu.memory_space<vmem>>, vector<16xf32>,
        tpu.vector_store %arg7[%swap3A_86, %swap3A_87], %add3A_85 {strides = array<i32>} : memref<8x4096xf32, #tpu.memory_space<vmem>>, vector<16xf32>,
        %reduce_sum3A = arith.constant true
        %reduce_sum3A_89 = vector.broadcast %reduce_sum3A : i1 to vector<16xi1>
        %reduce_sum3A_90 = tpu.scan <sum>, %mul3A_82 masked %reduce_sum3A_89 : vector<16xf32>, vector<16xi1> -> vector<16xf32>
        %reduce_sum3A_91 = vector.extract %reduce_sum3A_90[15] : f32 from vector<16xf32>
        %add3A_92 = arith.addf %scan3A_72, %reduce_sum3A_91 : f32
        scf.yield %add3A_92 : f32
      }
      %scan3A_27 = arith.constant 256 : i32
      %scan3A_28 = arith.constant 0.000000e+00 : f32
      %scan3A_29 = arith.constant 0 : i32
      %scan3A_30 = arith.constant 256 : i32
      %scan3A_31 = arith.addi %scan3A_29, %scan3A_30 : i32
      %scan3A_32 = arith.constant 1 : i32
      %scan3A_33 = scf.for %scan3A_71 = %scan3A_29 to %scan3A_31 step %scan3A_32 iter_args(%scan3A_72 = %scan3A_28) -> (f32)  : i32 {
        %mul3A_73 = arith.constant 16 : i32
        %mul3A_74 = arith.muli %scan3A_71, %mul3A_73 : i32
        %get3A = arith.constant 2 : i32
        %get3A_75 = arith.index_cast %get3A : i32 to index
        %get3A_76 = arith.index_cast %mul3A_74 : i32 to index
        %get3A_77 = tpu.vector_load %arg5[%get3A_75, %get3A_76] {strides = array<i32>} : memref<8x4096xf32, #tpu.memory_space<vmem>>, vector<16xf32>,
        %get3A_78 = arith.constant 2 : i32
        %get3A_79 = arith.index_cast %get3A_78 : i32 to index
        %get3A_80 = arith.index_cast %mul3A_74 : i32 to index
        %get3A_81 = tpu.vector_load %arg6[%get3A_79, %get3A_80] {strides = array<i32>} : memref<8x4096xi32, #tpu.memory_space<vmem>>, vector<16xi32>,
        %convert_element_type3A = arith.sitofp %get3A_81 : vector<16xi32> to vector<16xf32>
        %mul3A_82 = arith.mulf %get3A_77, %convert_element_type3A : vector<16xf32>
        %broadcast_in_dim3A = arith.constant true
        %broadcast_in_dim3A_83 = vector.broadcast %broadcast_in_dim3A : i1 to vector<16xi1>
        %masked_cumsum3A = tpu.scan <sum>, %mul3A_82 masked %broadcast_in_dim3A_83 : vector<16xf32>, vector<16xi1> -> vector<16xf32>
        %add3A_84 = vector.broadcast %scan3A_72 : f32 to vector<16xf32>
        %add3A_85 = arith.addf %masked_cumsum3A, %add3A_84 : vector<16xf32>
        %swap3A = arith.constant 2 : i32
        %swap3A_86 = arith.index_cast %swap3A : i32 to index
        %swap3A_87 = arith.index_cast %mul3A_74 : i32 to index
        %swap3A_88 = tpu.vector_load %arg7[%swap3A_86, %swap3A_87] {strides = array<i32>} : memref<8x4096xf32, #tpu.memory_space<vmem>>, vector<16xf32>,
        tpu.vector_store %arg7[%swap3A_86, %swap3A_87], %add3A_85 {strides = array<i32>} : memref<8x4096xf32, #tpu.memory_space<vmem>>, vector<16xf32>,
        %reduce_sum3A = arith.constant true
        %reduce_sum3A_89 = vector.broadcast %reduce_sum3A : i1 to vector<16xi1>
        %reduce_sum3A_90 = tpu.scan <sum>, %mul3A_82 masked %reduce_sum3A_89 : vector<16xf32>, vector<16xi1> -> vector<16xf32>
        %reduce_sum3A_91 = vector.extract %reduce_sum3A_90[15] : f32 from vector<16xf32>
        %add3A_92 = arith.addf %scan3A_72, %reduce_sum3A_91 : f32
        scf.yield %add3A_92 : f32
      }
      %scan3A_34 = arith.constant 256 : i32
      %scan3A_35 = arith.constant 0.000000e+00 : f32
      %scan3A_36 = arith.constant 0 : i32
      %scan3A_37 = arith.constant 256 : i32
      %scan3A_38 = arith.addi %scan3A_36, %scan3A_37 : i32
      %scan3A_39 = arith.constant 1 : i32
      %scan3A_40 = scf.for %scan3A_71 = %scan3A_36 to %scan3A_38 step %scan3A_39 iter_args(%scan3A_72 = %scan3A_35) -> (f32)  : i32 {
        %mul3A_73 = arith.constant 16 : i32
        %mul3A_74 = arith.muli %scan3A_71, %mul3A_73 : i32
        %get3A = arith.constant 3 : i32
        %get3A_75 = arith.index_cast %get3A : i32 to index
        %get3A_76 = arith.index_cast %mul3A_74 : i32 to index
        %get3A_77 = tpu.vector_load %arg5[%get3A_75, %get3A_76] {strides = array<i32>} : memref<8x4096xf32, #tpu.memory_space<vmem>>, vector<16xf32>,
        %get3A_78 = arith.constant 3 : i32
        %get3A_79 = arith.index_cast %get3A_78 : i32 to index
        %get3A_80 = arith.index_cast %mul3A_74 : i32 to index
        %get3A_81 = tpu.vector_load %arg6[%get3A_79, %get3A_80] {strides = array<i32>} : memref<8x4096xi32, #tpu.memory_space<vmem>>, vector<16xi32>,
        %convert_element_type3A = arith.sitofp %get3A_81 : vector<16xi32> to vector<16xf32>
        %mul3A_82 = arith.mulf %get3A_77, %convert_element_type3A : vector<16xf32>
        %broadcast_in_dim3A = arith.constant true
        %broadcast_in_dim3A_83 = vector.broadcast %broadcast_in_dim3A : i1 to vector<16xi1>
        %masked_cumsum3A = tpu.scan <sum>, %mul3A_82 masked %broadcast_in_dim3A_83 : vector<16xf32>, vector<16xi1> -> vector<16xf32>
        %add3A_84 = vector.broadcast %scan3A_72 : f32 to vector<16xf32>
        %add3A_85 = arith.addf %masked_cumsum3A, %add3A_84 : vector<16xf32>
        %swap3A = arith.constant 3 : i32
        %swap3A_86 = arith.index_cast %swap3A : i32 to index
        %swap3A_87 = arith.index_cast %mul3A_74 : i32 to index
        %swap3A_88 = tpu.vector_load %arg7[%swap3A_86, %swap3A_87] {strides = array<i32>} : memref<8x4096xf32, #tpu.memory_space<vmem>>, vector<16xf32>,
        tpu.vector_store %arg7[%swap3A_86, %swap3A_87], %add3A_85 {strides = array<i32>} : memref<8x4096xf32, #tpu.memory_space<vmem>>, vector<16xf32>,
        %reduce_sum3A = arith.constant true
        %reduce_sum3A_89 = vector.broadcast %reduce_sum3A : i1 to vector<16xi1>
        %reduce_sum3A_90 = tpu.scan <sum>, %mul3A_82 masked %reduce_sum3A_89 : vector<16xf32>, vector<16xi1> -> vector<16xf32>
        %reduce_sum3A_91 = vector.extract %reduce_sum3A_90[15] : f32 from vector<16xf32>
        %add3A_92 = arith.addf %scan3A_72, %reduce_sum3A_91 : f32
        scf.yield %add3A_92 : f32
      }
      %scan3A_41 = arith.constant 256 : i32
      %scan3A_42 = arith.constant 0.000000e+00 : f32
      %scan3A_43 = arith.constant 0 : i32
      %scan3A_44 = arith.constant 256 : i32
      %scan3A_45 = arith.addi %scan3A_43, %scan3A_44 : i32
      %scan3A_46 = arith.constant 1 : i32
      %scan3A_47 = scf.for %scan3A_71 = %scan3A_43 to %scan3A_45 step %scan3A_46 iter_args(%scan3A_72 = %scan3A_42) -> (f32)  : i32 {
        %mul3A_73 = arith.constant 16 : i32
        %mul3A_74 = arith.muli %scan3A_71, %mul3A_73 : i32
        %get3A = arith.constant 4 : i32
        %get3A_75 = arith.index_cast %get3A : i32 to index
        %get3A_76 = arith.index_cast %mul3A_74 : i32 to index
        %get3A_77 = tpu.vector_load %arg5[%get3A_75, %get3A_76] {strides = array<i32>} : memref<8x4096xf32, #tpu.memory_space<vmem>>, vector<16xf32>,
        %get3A_78 = arith.constant 4 : i32
        %get3A_79 = arith.index_cast %get3A_78 : i32 to index
        %get3A_80 = arith.index_cast %mul3A_74 : i32 to index
        %get3A_81 = tpu.vector_load %arg6[%get3A_79, %get3A_80] {strides = array<i32>} : memref<8x4096xi32, #tpu.memory_space<vmem>>, vector<16xi32>,
        %convert_element_type3A = arith.sitofp %get3A_81 : vector<16xi32> to vector<16xf32>
        %mul3A_82 = arith.mulf %get3A_77, %convert_element_type3A : vector<16xf32>
        %broadcast_in_dim3A = arith.constant true
        %broadcast_in_dim3A_83 = vector.broadcast %broadcast_in_dim3A : i1 to vector<16xi1>
        %masked_cumsum3A = tpu.scan <sum>, %mul3A_82 masked %broadcast_in_dim3A_83 : vector<16xf32>, vector<16xi1> -> vector<16xf32>
        %add3A_84 = vector.broadcast %scan3A_72 : f32 to vector<16xf32>
        %add3A_85 = arith.addf %masked_cumsum3A, %add3A_84 : vector<16xf32>
        %swap3A = arith.constant 4 : i32
        %swap3A_86 = arith.index_cast %swap3A : i32 to index
        %swap3A_87 = arith.index_cast %mul3A_74 : i32 to index
        %swap3A_88 = tpu.vector_load %arg7[%swap3A_86, %swap3A_87] {strides = array<i32>} : memref<8x4096xf32, #tpu.memory_space<vmem>>, vector<16xf32>,
        tpu.vector_store %arg7[%swap3A_86, %swap3A_87], %add3A_85 {strides = array<i32>} : memref<8x4096xf32, #tpu.memory_space<vmem>>, vector<16xf32>,
        %reduce_sum3A = arith.constant true
        %reduce_sum3A_89 = vector.broadcast %reduce_sum3A : i1 to vector<16xi1>
        %reduce_sum3A_90 = tpu.scan <sum>, %mul3A_82 masked %reduce_sum3A_89 : vector<16xf32>, vector<16xi1> -> vector<16xf32>
        %reduce_sum3A_91 = vector.extract %reduce_sum3A_90[15] : f32 from vector<16xf32>
        %add3A_92 = arith.addf %scan3A_72, %reduce_sum3A_91 : f32
        scf.yield %add3A_92 : f32
      }
      %scan3A_48 = arith.constant 256 : i32
      %scan3A_49 = arith.constant 0.000000e+00 : f32
      %scan3A_50 = arith.constant 0 : i32
      %scan3A_51 = arith.constant 256 : i32
      %scan3A_52 = arith.addi %scan3A_50, %scan3A_51 : i32
      %scan3A_53 = arith.constant 1 : i32
      %scan3A_54 = scf.for %scan3A_71 = %scan3A_50 to %scan3A_52 step %scan3A_53 iter_args(%scan3A_72 = %scan3A_49) -> (f32)  : i32 {
        %mul3A_73 = arith.constant 16 : i32
        %mul3A_74 = arith.muli %scan3A_71, %mul3A_73 : i32
        %get3A = arith.constant 5 : i32
        %get3A_75 = arith.index_cast %get3A : i32 to index
        %get3A_76 = arith.index_cast %mul3A_74 : i32 to index
        %get3A_77 = tpu.vector_load %arg5[%get3A_75, %get3A_76] {strides = array<i32>} : memref<8x4096xf32, #tpu.memory_space<vmem>>, vector<16xf32>,
        %get3A_78 = arith.constant 5 : i32
        %get3A_79 = arith.index_cast %get3A_78 : i32 to index
        %get3A_80 = arith.index_cast %mul3A_74 : i32 to index
        %get3A_81 = tpu.vector_load %arg6[%get3A_79, %get3A_80] {strides = array<i32>} : memref<8x4096xi32, #tpu.memory_space<vmem>>, vector<16xi32>,
        %convert_element_type3A = arith.sitofp %get3A_81 : vector<16xi32> to vector<16xf32>
        %mul3A_82 = arith.mulf %get3A_77, %convert_element_type3A : vector<16xf32>
        %broadcast_in_dim3A = arith.constant true
        %broadcast_in_dim3A_83 = vector.broadcast %broadcast_in_dim3A : i1 to vector<16xi1>
        %masked_cumsum3A = tpu.scan <sum>, %mul3A_82 masked %broadcast_in_dim3A_83 : vector<16xf32>, vector<16xi1> -> vector<16xf32>
        %add3A_84 = vector.broadcast %scan3A_72 : f32 to vector<16xf32>
        %add3A_85 = arith.addf %masked_cumsum3A, %add3A_84 : vector<16xf32>
        %swap3A = arith.constant 5 : i32
        %swap3A_86 = arith.index_cast %swap3A : i32 to index
        %swap3A_87 = arith.index_cast %mul3A_74 : i32 to index
        %swap3A_88 = tpu.vector_load %arg7[%swap3A_86, %swap3A_87] {strides = array<i32>} : memref<8x4096xf32, #tpu.memory_space<vmem>>, vector<16xf32>,
        tpu.vector_store %arg7[%swap3A_86, %swap3A_87], %add3A_85 {strides = array<i32>} : memref<8x4096xf32, #tpu.memory_space<vmem>>, vector<16xf32>,
        %reduce_sum3A = arith.constant true
        %reduce_sum3A_89 = vector.broadcast %reduce_sum3A : i1 to vector<16xi1>
        %reduce_sum3A_90 = tpu.scan <sum>, %mul3A_82 masked %reduce_sum3A_89 : vector<16xf32>, vector<16xi1> -> vector<16xf32>
        %reduce_sum3A_91 = vector.extract %reduce_sum3A_90[15] : f32 from vector<16xf32>
        %add3A_92 = arith.addf %scan3A_72, %reduce_sum3A_91 : f32
        scf.yield %add3A_92 : f32
      }
      %scan3A_55 = arith.constant 256 : i32
      %scan3A_56 = arith.constant 0.000000e+00 : f32
      %scan3A_57 = arith.constant 0 : i32
      %scan3A_58 = arith.constant 256 : i32
      %scan3A_59 = arith.addi %scan3A_57, %scan3A_58 : i32
      %scan3A_60 = arith.constant 1 : i32
      %scan3A_61 = scf.for %scan3A_71 = %scan3A_57 to %scan3A_59 step %scan3A_60 iter_args(%scan3A_72 = %scan3A_56) -> (f32)  : i32 {
        %mul3A_73 = arith.constant 16 : i32
        %mul3A_74 = arith.muli %scan3A_71, %mul3A_73 : i32
        %get3A = arith.constant 6 : i32
        %get3A_75 = arith.index_cast %get3A : i32 to index
        %get3A_76 = arith.index_cast %mul3A_74 : i32 to index
        %get3A_77 = tpu.vector_load %arg5[%get3A_75, %get3A_76] {strides = array<i32>} : memref<8x4096xf32, #tpu.memory_space<vmem>>, vector<16xf32>,
        %get3A_78 = arith.constant 6 : i32
        %get3A_79 = arith.index_cast %get3A_78 : i32 to index
        %get3A_80 = arith.index_cast %mul3A_74 : i32 to index
        %get3A_81 = tpu.vector_load %arg6[%get3A_79, %get3A_80] {strides = array<i32>} : memref<8x4096xi32, #tpu.memory_space<vmem>>, vector<16xi32>,
        %convert_element_type3A = arith.sitofp %get3A_81 : vector<16xi32> to vector<16xf32>
        %mul3A_82 = arith.mulf %get3A_77, %convert_element_type3A : vector<16xf32>
        %broadcast_in_dim3A = arith.constant true
        %broadcast_in_dim3A_83 = vector.broadcast %broadcast_in_dim3A : i1 to vector<16xi1>
        %masked_cumsum3A = tpu.scan <sum>, %mul3A_82 masked %broadcast_in_dim3A_83 : vector<16xf32>, vector<16xi1> -> vector<16xf32>
        %add3A_84 = vector.broadcast %scan3A_72 : f32 to vector<16xf32>
        %add3A_85 = arith.addf %masked_cumsum3A, %add3A_84 : vector<16xf32>
        %swap3A = arith.constant 6 : i32
        %swap3A_86 = arith.index_cast %swap3A : i32 to index
        %swap3A_87 = arith.index_cast %mul3A_74 : i32 to index
        %swap3A_88 = tpu.vector_load %arg7[%swap3A_86, %swap3A_87] {strides = array<i32>} : memref<8x4096xf32, #tpu.memory_space<vmem>>, vector<16xf32>,
        tpu.vector_store %arg7[%swap3A_86, %swap3A_87], %add3A_85 {strides = array<i32>} : memref<8x4096xf32, #tpu.memory_space<vmem>>, vector<16xf32>,
        %reduce_sum3A = arith.constant true
        %reduce_sum3A_89 = vector.broadcast %reduce_sum3A : i1 to vector<16xi1>
        %reduce_sum3A_90 = tpu.scan <sum>, %mul3A_82 masked %reduce_sum3A_89 : vector<16xf32>, vector<16xi1> -> vector<16xf32>
        %reduce_sum3A_91 = vector.extract %reduce_sum3A_90[15] : f32 from vector<16xf32>
        %add3A_92 = arith.addf %scan3A_72, %reduce_sum3A_91 : f32
        scf.yield %add3A_92 : f32
      }
      %scan3A_62 = arith.constant 256 : i32
      %scan3A_63 = arith.constant 0.000000e+00 : f32
      %scan3A_64 = arith.constant 0 : i32
      %scan3A_65 = arith.constant 256 : i32
      %scan3A_66 = arith.addi %scan3A_64, %scan3A_65 : i32
      %scan3A_67 = arith.constant 1 : i32
      %scan3A_68 = scf.for %scan3A_71 = %scan3A_64 to %scan3A_66 step %scan3A_67 iter_args(%scan3A_72 = %scan3A_63) -> (f32)  : i32 {
        %mul3A_73 = arith.constant 16 : i32
        %mul3A_74 = arith.muli %scan3A_71, %mul3A_73 : i32
        %get3A = arith.constant 7 : i32
        %get3A_75 = arith.index_cast %get3A : i32 to index
        %get3A_76 = arith.index_cast %mul3A_74 : i32 to index
        %get3A_77 = tpu.vector_load %arg5[%get3A_75, %get3A_76] {strides = array<i32>} : memref<8x4096xf32, #tpu.memory_space<vmem>>, vector<16xf32>,
        %get3A_78 = arith.constant 7 : i32
        %get3A_79 = arith.index_cast %get3A_78 : i32 to index
        %get3A_80 = arith.index_cast %mul3A_74 : i32 to index
        %get3A_81 = tpu.vector_load %arg6[%get3A_79, %get3A_80] {strides = array<i32>} : memref<8x4096xi32, #tpu.memory_space<vmem>>, vector<16xi32>,
        %convert_element_type3A = arith.sitofp %get3A_81 : vector<16xi32> to vector<16xf32>
        %mul3A_82 = arith.mulf %get3A_77, %convert_element_type3A : vector<16xf32>
        %broadcast_in_dim3A = arith.constant true
        %broadcast_in_dim3A_83 = vector.broadcast %broadcast_in_dim3A : i1 to vector<16xi1>
        %masked_cumsum3A = tpu.scan <sum>, %mul3A_82 masked %broadcast_in_dim3A_83 : vector<16xf32>, vector<16xi1> -> vector<16xf32>
        %add3A_84 = vector.broadcast %scan3A_72 : f32 to vector<16xf32>
        %add3A_85 = arith.addf %masked_cumsum3A, %add3A_84 : vector<16xf32>
        %swap3A = arith.constant 7 : i32
        %swap3A_86 = arith.index_cast %swap3A : i32 to index
        %swap3A_87 = arith.index_cast %mul3A_74 : i32 to index
        %swap3A_88 = tpu.vector_load %arg7[%swap3A_86, %swap3A_87] {strides = array<i32>} : memref<8x4096xf32, #tpu.memory_space<vmem>>, vector<16xf32>,
        tpu.vector_store %arg7[%swap3A_86, %swap3A_87], %add3A_85 {strides = array<i32>} : memref<8x4096xf32, #tpu.memory_space<vmem>>, vector<16xf32>,
        %reduce_sum3A = arith.constant true
        %reduce_sum3A_89 = vector.broadcast %reduce_sum3A : i1 to vector<16xi1>
        %reduce_sum3A_90 = tpu.scan <sum>, %mul3A_82 masked %reduce_sum3A_89 : vector<16xf32>, vector<16xi1> -> vector<16xf32>
        %reduce_sum3A_91 = vector.extract %reduce_sum3A_90[15] : f32 from vector<16xf32>
        %add3A_92 = arith.addf %scan3A_72, %reduce_sum3A_91 : f32
        scf.yield %add3A_92 : f32
      }
      %scan3A_69 = arith.constant 256 : i32
      "tpu.region"() ({
        %run_scoped3A = tpu.sem_alloc : memref<!tpu.dma_semaphore, #tpu.memory_space<semaphore_mem>>
        %dma_start3A = arith.constant 0 : i32
        %dma_start3A_71 = tpu.memref_slice %arg4[%add3A_13, %dma_start3A] : memref<4096x4096xf32, #tpu.memory_space<hbm>> -> memref<8x4096xf32, #tpu.memory_space<hbm>>
        %dma_start3A_72 = arith.constant 0 : i32
        %dma_start3A_73 = tpu.memref_slice %arg4[%add3A_13, %dma_start3A_72] : memref<4096x4096xf32, #tpu.memory_space<hbm>> -> memref<8x4096xf32, #tpu.memory_space<hbm>>
        tpu.enqueue_dma source(%arg7 : memref<8x4096xf32, #tpu.memory_space<vmem>>) target(%dma_start3A_73 : memref<8x4096xf32, #tpu.memory_space<hbm>>) target_semaphore(%run_scoped3A : memref<!tpu.dma_semaphore, #tpu.memory_space<semaphore_mem>>)
        %dma_wait3A = arith.constant 0 : i32
        %dma_wait3A_74 = tpu.memref_slice %arg4[%add3A_13, %dma_wait3A] : memref<4096x4096xf32, #tpu.memory_space<hbm>> -> memref<8x4096xf32, #tpu.memory_space<hbm>>
        %dma_wait3A_75 = arith.constant 0 : i32
        %dma_wait3A_76 = tpu.memref_slice %arg4[%add3A_13, %dma_wait3A_75] : memref<4096x4096xf32, #tpu.memory_space<hbm>> -> memref<8x4096xf32, #tpu.memory_space<hbm>>
        tpu.wait_dma2 semaphore(%run_scoped3A : memref<!tpu.dma_semaphore, #tpu.memory_space<semaphore_mem>>) src(%arg7 : memref<8x4096xf32, #tpu.memory_space<vmem>>) dst(%dma_wait3A_76 : memref<8x4096xf32, #tpu.memory_space<hbm>>)
        tpu.yield
      }) : () -> ()
      %scan3A_70 = arith.constant 0 : i32
      scf.yield %scan3A_70 : i32
    }
    %scan3A_8 = arith.constant 16 : i32
    return
  }
}

</mosaic_0001>

<sc_bundles>
// kernel: kernel.3.cloned.1.call-start
scs
__scs_entry_jumppad:
0x0: {  	(pc) =	sbr.rel $0x88, $3  }
0x1: {  	(tag) =	ssettag $0x0;
	lr =	simm.s32 $0x1  }
0x2: {  	[smem:$0x3F9F] =	sst lr;
	_ =	strace $0xD0000000  }
0x3: {  	_ = 	snop  }
0x4: {  	_ = 	snop  }
0x5: {  	_ = 	snop  }
0x6: {  	_ = 	snop  }
0x7: {  	_ = 	snop  }
__scs_overlays_trampoline_lowered:
0x8: {  	[smem:$0x3FAE] =	sst s0  }
0x9: {  	[smem:$0x3FAF] =	sst s1  }
0xa: {  	[smem:$0x3FB0] =	sst s2  }
0xb: {  	[smem:$0x3FB1] =	sst s3  }
0xc: {  	[smem:$0x3FB2] =	sst s4  }
0xd: {  	[smem:$0x3FB3] =	sst s5  }
0xe: {  	[smem:$0x3FB4] =	sst s6  }
0xf: {  	[smem:$0x3FB5] =	sst s7  }
0x10: {  	[smem:$0x3FB6] =	sst s8  }
0x11: {  	[smem:$0x3FB7] =	sst s9;
	s0 =	simm.s32 @!p0 $0x0  }
0x12: {  	s1 =	sld [smem:$0x3F9D];
	s0 =	simm.s32 @p0 $0x1  }
0x13: {  	[smem:$0x3FB8] =	sst s0;
	s0 =	simm.s32 @!p1 $0x0  }
0x14: {  	s2 =	sld [smem:$0x3F9C];
	s0 =	simm.s32 @p1 $0x1  }
0x15: {  	[smem:$0x3FB9] =	sst s0;
	s0 =	simm.s32 @!p2 $0x0  }
0x16: {  	s3 =	sld [smem:$0x3FDB];
	s0 =	simm.s32 @p2 $0x1  }
0x17: {  	s4 =	simm.s32 $0x1BF5;
	[smem:$0x3FBB] =	sst s0  }
0x18: {  	s0 =	sld [smem:$0x3F9E];
	_ =	swait.ge [sflag:s4], $0x0  }
0x19: {  	s7 =	sld [smem:$0x3F9F]  }
0x1a: {  	s8 =	sadd.s32 $0xFFFFE003, lr  }
0x1b: {  	s9 =	sadd.s32 $0xFFFFFEF7, lr;
	s5 =	simm.s32 $0xFFFFFFFF;
	p2 =	slt.u32 s8, $0xFFFFF086  }
0x1c: {  	p1 =	slt.u32 s9, $0xF7A;
	s5 =	simm.s32 @!p2 $0x0  }
0x1d: {  	s5 =	simm.s32 @p1 $0x1;
	p0 =	seq.s32 s7, s2  }
0x1e: {  	s7 =	smul.u32 @!p0 $0xF7A, s2;
	p2 =	seq.s32 @!p0 s5, $0x0  }
0x1f: {  	s9 =	smul.u32 $0xF7A, s1;
	s8 =	simm.s32 @!p0 $0x1BF5;
	p2 =	por !p2, p0  }
0x20: {  	[sflag:s8] =	ssyncset.s32 @!p0 $0xFFFFF086;
	s6 =	sadd.s32 @!p0 s3, s7;
	s7 =	simm.s32 @!p0 $0x108  }
0x21: {  	s3 =	sadd.s32 s3, s9;
	s6 =	sadd.s32 @!p0 $0x88, s6;
	s7 =	simm.s32 @p2 $0x1082  }
0x22: {  	[simem:s7], [sflag:s8] =	dma.local @!p0 [hbm:s6], $0xF7A  }
0x23: {  	s9 =	sor.u32 $0xD0000000, s2;
	s6 =	simm.s32 $0x108;
	_ =	swait.ge @!p0 [sflag:s8], $0x0  }
0x24: {  	s3 =	sadd.s32 $0x88, s3;
	s6 =	simm.s32 @!p1 $0x1082;
	[sflag:s4] =	ssyncset.s32 $0xFFFFF086  }
0x25: {  	[simem:s6], [sflag:s4] =	dma.local [hbm:s3], $0xF7A  }
0x26: {  	[smem:$0x3F9F] =	sst s1;
	(tag) =	ssettag s2;
	_ =	strace s9  }
0x27: {  	s1 =	sld [smem:$0x3FAF]  }
0x28: {  	s2 =	sld [smem:$0x3FB0]  }
0x29: {  	s4 =	sld [smem:$0x3FB2]  }
0x2a: {  	p0 =	seq.s32 s5, $0x0;
	s5 =	sld [smem:$0x3FB3]  }
0x2b: {  	s6 =	sld [smem:$0x3FB4]  }
0x2c: {  	s7 =	sld [smem:$0x3FB5]  }
0x2d: {  	s3 =	simm.s32 $0x108;
	s8 =	sld [smem:$0x3FB6]  }
0x2e: {  	s3 =	simm.s32 @!p0 $0x1082;
	s9 =	sld [smem:$0x3FB7]  }
0x2f: {  	lr =	sadd.s32 s0, s3;
	s0 =	sld [smem:$0x3FAE]  }
0x30: {  	s3 =	sld [smem:$0x3FB1]  }
0x31: {  	[smem:$0x3FBA] =	sst s10  }
0x32: {  	s10 =	sld [smem:$0x3FB8];
	_ =	sdelay $0x3  }
0x33: {  	p0 =	seq.s32 s10, $0x1;
	s10 =	sld [smem:$0x3FBA];
	_ =	sdelay $0x3  }
0x34: {  	[smem:$0x3FBA] =	sst s10  }
0x35: {  	s10 =	sld [smem:$0x3FB9];
	_ =	sdelay $0x3  }
0x36: {  	p1 =	seq.s32 s10, $0x1;
	s10 =	sld [smem:$0x3FBA];
	_ =	sdelay $0x3  }
0x37: {  	[smem:$0x3FBA] =	sst s10  }
0x38: {  	s10 =	sld [smem:$0x3FBB]  }
0x39: {  	_ = 	snop;
	(pc) =	sbr.ind lr, $3  }
0x3a: {  	_ = 	snop  }
0x3b: {  	_ = 	snop  }
0x3c: {  	p2 =	seq.s32 s10, $0x1;
	s10 =	sld [smem:$0x3FBA]  }
0x3d: {  	_ =	shalt  }
0x3e: {  	_ =	shalt  }
0x3f: {  	_ =	shalt  }
0x40: {  	_ =	shalt  }
0x41: {  	_ =	shalt  }
0x42: {  	_ =	shalt  }
0x43: {  	_ =	shalt  }
0x44: {  	_ =	shalt  }
0x45: {  	_ =	shalt  }
0x46: {  	_ =	shalt  }
0x47: {  	_ =	shalt  }
0x48: {  	_ =	shalt  }
0x49: {  	_ =	shalt  }
0x4a: {  	_ =	shalt  }
0x4b: {  	_ =	shalt  }
0x4c: {  	_ =	shalt  }
0x4d: {  	_ =	shalt  }
0x4e: {  	_ =	shalt  }
0x4f: {  	_ =	shalt  }
0x50: {  	_ =	shalt  }
0x51: {  	_ =	shalt  }
0x52: {  	_ =	shalt  }
0x53: {  	_ =	shalt  }
0x54: {  	_ =	shalt  }
0x55: {  	_ =	shalt  }
0x56: {  	_ =	shalt  }
0x57: {  	_ =	shalt  }
0x58: {  	_ =	shalt  }
0x59: {  	_ =	shalt  }
0x5a: {  	_ =	shalt  }
0x5b: {  	_ =	shalt  }
0x5c: {  	_ =	shalt  }
0x5d: {  	_ =	shalt  }
0x5e: {  	_ =	shalt  }
0x5f: {  	_ =	shalt  }
0x60: {  	_ =	shalt  }
0x61: {  	_ =	shalt  }
0x62: {  	_ =	shalt  }
0x63: {  	_ =	shalt  }
0x64: {  	_ =	shalt  }
0x65: {  	_ =	shalt  }
0x66: {  	_ =	shalt  }
0x67: {  	_ =	shalt  }
0x68: {  	_ =	shalt  }
0x69: {  	_ =	shalt  }
0x6a: {  	_ =	shalt  }
0x6b: {  	_ =	shalt  }
0x6c: {  	_ =	shalt  }
0x6d: {  	_ =	shalt  }
0x6e: {  	_ =	shalt  }
0x6f: {  	_ =	shalt  }
0x70: {  	_ =	shalt  }
0x71: {  	_ =	shalt  }
0x72: {  	_ =	shalt  }
0x73: {  	_ =	shalt  }
0x74: {  	_ =	shalt  }
0x75: {  	_ =	shalt  }
0x76: {  	_ =	shalt  }
0x77: {  	_ =	shalt  }
0x78: {  	_ =	shalt  }
0x79: {  	_ =	shalt  }
0x7a: {  	_ =	shalt  }
0x7b: {  	_ =	shalt  }
0x7c: {  	_ =	shalt  }
0x7d: {  	_ =	shalt  }
0x7e: {  	_ =	shalt  }
0x7f: {  	_ =	shalt  }
0x80: {  	_ =	shalt  }
0x81: {  	_ =	shalt  }
0x82: {  	_ =	shalt  }
0x83: {  	_ =	shalt  }
0x84: {  	_ =	shalt  }
0x85: {  	_ =	shalt  }
0x86: {  	_ =	shalt  }
0x87: {  	_ =	shalt  }
.Lfunc_end0:
.L_simem_size_0:
called_computation_lowered:
.L_overlay_start_0:
0x88: {  	s2 =	sld [smem:$0x3FD9]  }
0x89: {  	s3 =	sld [smem:$0x3FFE];
	_ =	sdelay $0x1  }
0x8a: {  	s1 =	srdreg.scid  }
0x8b: {  	s0 =	sand.u32 $0x1, s1  }
0x8c: {  	s17 =	sshll.u32 s0, $0xA;
	s2 =	sadd.s32 s3, s2  }
0x8d: {  	s2 =	sadd.s32 s2, s17  }
0x8e: {  	[smem:$0x3FC6] =	sst s2  }
0x8f: {  	_ = 	snop  }
0x90: {  	s2 =	sld [smem:$0x3FC9]  }
0x91: {  	s18 =	sld [smem:$0x3FD0];
	(tm) =	ssettm $0x1  }
0x92: {  	s4 =	sld [smem:$0x3FFB];
	_ =	sdelay $0x3  }
0x93: {  	_ =	strace s4  }
0x94: {  	s4 =	sld [smem:$0x3FFC];
	_ =	sdelay $0x3  }
0x95: {  	_ =	strace s4  }
0x96: {  	s4 =	sld [smem:$0x3FFD];
	_ =	sdelay $0x3  }
0x97: {  	_ =	strace s4  }
0x98: {  	_ =	strace $0x8FFFFFFF  }
0x99: {  	s19 =	sld [smem:$0x3FDB];
	_ =	sdelay $0x1  }
0x9a: {  	s5 =	simm.s32 $_scs_section_size  }
0x9b: {  	s6 =	simm.s32 $_size__tile_overlayer_lowered;
	s7 =	simm.s32 $_tile_overlayer_lowered  }
0x9c: {  	s22 =	simm.s32 $0x1BFF;
	s21 =	sshll.u32 s7, $0x1;
	s4 =	sadd.s32 s5, s19  }
0x9d: {  	s8 =	simm.s32 $0x0;
	s20 =	sshll.u32 s6, $0x1;
	s6 =	sadd.s32 s21, s4  }
0x9e: {  	[timem:s8], [sflag:s22] =	dma.local [hbm:s6], s20  }
0x9f: {  	_ =	swait.ge [sflag:s22], s20  }
0xa0: {  	s5 =	ssub.s32 $0x0, s20;
	[sflag:s22] =	ssyncset.done $0x0  }
0xa1: {  	[sflag:s22] =	ssyncadd.s32 s5;
	_ =	sdelay $0x1  }
0xa2: {  	s23 =	simm.s32 $0x1B8B  }
0xa3: {  	_ =	swait.ge [sflag:s23], $0x1  }
0xa4: {  	[sflag:s23] =	ssyncset.done $0x0  }
0xa5: {  	s25 =	simm.s32 $0x1B8E;
	s24 =	sld [smem:$0x3FFE];
	[sflag:s23] =	ssyncadd.s32 $0xFFFFFFFF  }
0xa6: {  	s26 =	simm.s32 $execute0_lowered;
	[smem:$0x3FD2] =	sst s25  }
0xa7: {  	s6 =	sshll.u32 s26, $0x1;
	_ =	strace $0x80000046;
	[dreg:$0x1] =	wrdreg $0xFFFFFFFF  }
0xa8: {  	s28 =	simm.s32 $_size_execute0_lowered;
	s4 =	sadd.s32 s4, s6;
	[dreg:$0x0] =	wrdreg $0x0  }
0xa9: {  	s6 =	sshll.u32 s28, $0x1;
	[dreg:$0x2] =	wrdreg s4  }
0xaa: {  	[dreg:$0x3] =	wrdreg s6  }
0xab: {  	[dreg:$0x4] =	wrdreg $0xC0  }
0xac: {  	_ =	task [dreg:s8], $0x5FFFF  }
0xad: {  	[dreg:$0x1] =	wrdreg $0xFFFFFFFF  }
0xae: {  	[dreg:$0x0] =	wrdreg $0x60  }
0xaf: {  	[dreg:$0x2] =	wrdreg s2  }
0xb0: {  	[dreg:$0x3] =	wrdreg s24  }
0xb1: {  	[dreg:$0x4] =	wrdreg s18  }
0xb2: {  	[dreg:$0x5] =	wrdreg $0x9  }
0xb3: {  	_ =	task.clear_ibuf [dreg:s8], $0x6FFFF;
	_ =	strace $0x90000046  }
0xb4: {  	s29 =	simm.s32 $0x9;
	_ =	strace $0x80000048  }
0xb5: {  	_ =	swait.ge [sflag:s29], $0x1  }
0xb6: {  	[sflag:s29] =	ssyncadd.s32 $0xFFFFFFFF  }
0xb7: {  	_ =	strace $0x90000048  }
0xb8: {  	_ =	sfence  }
0xb9: {  	s30 =	sld [smem:$0x0];
	_ =	sdelay $0x2  }
0xba: {  	s31 =	sshll.u32 s1, $0xD;
	s1 =	sshrl.u32 s1, $0x2  }
0xbb: {  	s3 =	sand.u32 $0x4000, s31;
	s1 =	sadd.s32 s1, s30  }
0xbc: {  	s0 =	sor.u32 s3, s0;
	s1 =	sshll.u32 s1, $0x11  }
0xbd: {  	s0 =	sor.u32 s1, s0  }
0xbe: {  	s0 =	sadd.s32 $0x8F2B, s0  }
0xbf: {  	[sflag:s0] =	ssyncadd.remote.s32 $0x1  }
0xc0: {  	_ =	sfence.sel $0xFFFF  }
0xc1: {  	[dreg:$0x0] =	wrdreg $0xFFFFFFFF;
	(pc) =	sbr.abs _section_cstart, $3  }
0xc2: {  	[dreg:$0x1] =	wrdreg $0xFFFFFFFF  }
0xc3: {  	_ =	task.clear_ibuf [dreg:s8], $0x2FFFF;
	_ =	strace $0x9FFFFFFF  }
0xc4: {  	(tm) =	ssettm $0x7FFFFFFF  }
0xc5: {  	_ =	shalt  }
tec
execute0_lowered:
.L_overlay_start_1:
0x0: {  	(tag) =	ssettag $0x1  }
0x1: {  	s0 =	rddreg [dreg:$0x1];
	s4 =	srdreg.scid  }
0x2: {  	s3 =	simm.s32 $0x0;
	s1 =	stileid.u32;
	s4 =	sand.u32 $0x1, s4  }
0x3: {  	s8 =	simm.s32 $0x1;
	s9 =	simm.s32 $0x8000;
	s6 =	ssub.s32 $0x2, s4  }
0x4: {  	s10 =	simm.s32 $0x10000;
	[smem:$0x7FF] =	sst s3;
	s30 =	sshrl.u32 s6, $0x1  }
0x5: {  	s5 =	sadd.s32 $0x400, s0;
	s31 =	sshll.u32 s1, $0x5;
	s0 =	ssub.s32 s6, s30  }
0x6: {  	s1 =	simm.s32 $0x0;
	s4 =	sshll.u32 s4, $0x4;
	s0 =	smax.u32 s0, $0x1  }
0x7: {  	_ =	strace $0x80000047;
	s6 =	sor.u32 s4, s31;
	[dreg:$0x4] =	wrdreg s0  }
.LBB2_1:
0x8: {  	[dreg:$0x5] =	wrdreg s1;
	s12 =	simm.s32 $0x0  }
.LBB2_2:
0x9: {  	s0 =	sadd.s32 s6, s12  }
0xa: {  	s20 =	rddreg [dreg:$0x0];
	s13 =	sshll.u32 s0, $0xC  }
0xb: {  	s4 =	simm.s32 $0x0;
	s0 =	sadd.s32 s20, s13  }
0xc: {  	[tilespmem:s4], [sflag:$0x1] =	stream.linear.gather [hbm4b:s0+s4], $0x8000, $0x38;
	[tilespmem:$0x18000] =	vst v63  }
0xd: {  	_ =	swait.ge [sflag:s8], $0x8000  }
0xe: {  	[sflag:s8] =	ssyncset.done $0x0  }
0xf: {  	s21 =	sadd.s32 s5, s13;
	[sflag:s8] =	ssyncadd.s32 $0xFFFF8000  }
0x10: {  	[tilespmem:s9], [sflag:$0x1] =	stream.linear.gather [hbm4b:s21+s4], $0x8000, $0x38;
	[tilespmem:$0x18000] =	vst v63  }
0x11: {  	s22 =	simm.s32 $0x10;
	s23 =	simm.s32 $0x80;
	_ =	swait.ge [sflag:s8], $0x8000  }
0x12: {  	s15 =	sand.u32 $0x70, s4;
	s16 =	sand.u32 $0x7C00, s4;
	[sflag:s8] =	ssyncset.done $0x0  }
0x13: {  	s24 =	simm.s32 $0x20;
	s26 =	sor.u32 s15, s16;
	[sflag:s8] =	ssyncadd.s32 $0xFFFF8000  }
0x14: {  	s25 =	simm.s32 $0x100;
	s17 =	sand.u32 $0x70, s22;
	s18 =	sand.u32 $0x7C00, s23;
	v0 =	vld [tilespmem:s26+$0x8000]  }
0x15: {  	s19 =	sand.u32 $0x70, s24;
	s29 =	sor.u32 s17, s18;
	s20 =	sand.u32 $0x7C00, s25;
	v1 =	vld [tilespmem:s26+$0x0]  }
0x16: {  	s28 =	sor.u32 s19, s20;
	v2 =	vld [tilespmem:s29+$0x8000]  }
0x17: {  	v3 =	vld [tilespmem:s28+$0x8000]  }
0x18: {  	v4 =	vld [tilespmem:s29+$0x0]  }
0x19: {  	v5 =	vld [tilespmem:s28+$0x0];
	v0 =	vcvt.s32.f32 v0;
	_ =	sdelay $0x1  }
0x1a: {  	v2 =	vcvt.s32.f32 v2;
	v0 =	vmul.f32 v0, v1  }
0x1b: {  	v1 =	vcvt.s32.f32 v3  }
0x1c: {  	s1 =	simm.s32 $0x30;
	s2 =	simm.s32 $0x180;
	v2 =	vmul.f32 v2, v4;
	(xrf2) =	vadd.scan.msk.f32 $0xffff, v0  }
0x1d: {  	s22 =	sand.u32 $0x7C00, s2;
	s21 =	sand.u32 $0x70, s1;
	v0 =	vmul.f32 v1, v5  }
0x1e: {  	s30 =	sor.u32 s21, s22;
	(xrf2) =	vadd.scan.msk.f32 $0xffff, v2  }
0x1f: {  	(xrf2) =	vadd.scan.msk.f32 $0xffff, v0;
	v0 =	vld [tilespmem:s30+$0x8000];
	_ =	sdelay $0x3  }
0x20: {  	v1 =	vld [tilespmem:s30+$0x0]  }
0x21: {  	v0 =	vcvt.s32.f32 v0;
	_ =	sdelay $0x1  }
0x22: {  	v4, _, _ =	vpop (xrf2)  }
0x23: {  	(v2sf) =	vpush v4, $0xF  }
0x24: {  	s7 =	simm.s32 $0x200;
	s4 =	simm.s32 $0x40;
	v5 =	vmul.f32 v0, v1;
	v0, _, _ =	vpop (xrf2)  }
0x25: {  	s25 =	sand.u32 $0x7C00, s7;
	s23 =	sand.u32 $0x70, s4;
	(v2sf) =	vpush v0, $0xF;
	v1, _, _ =	vpop (xrf2)  }
0x26: {  	s31 =	sor.u32 s23, s25;
	(v2sf) =	vpush v1, $0xF  }
0x27: {  	v2 =	vld [tilespmem:s31+$0x8000];
	_ =	sdelay $0x1  }
0x28: {  	v3 =	vld [tilespmem:s31+$0x0]  }
0x29: {  	s11 =	simm.s32 $0x50;
	s4 =	simm.s32 $0x280;
	(xrf2) =	vadd.scan.msk.f32 $0xffff, v5  }
0x2a: {  	s24 =	sand.u32 $0x70, s11;
	s14 =	sand.u32 $0x7C00, s4  }
0x2b: {  	s0 =	sor.u32 s24, s14;
	v6 =	vcvt.s32.f32 v2  }
0x2c: {  	v2 =	vld [tilespmem:s0+$0x8000]  }
0x2d: {  	s14 =	simm.f32 $0.0e+00;
	v5 =	vmul.f32 v6, v3  }
0x2e: {  	s11 =	simm.s32 $0x60;
	s7 =	simm.f32 $0.0e+00;
	v3 =	vld [tilespmem:s0+$0x0];
	v4 =	vadd.f32 s14, v4  }
.LBB2_3:
0x2f: {  	s1 =	sand.u32 $0x70, s11;
	s4 =	sadd.s32 $0x80, s4;
	(xrf2) =	vadd.scan.msk.f32 $0xffff, v5;
	p0 =	sne.s32 s11, $0xFF0  }
.Ltmp0:
0x30: {  	s11 =	sadd.s32 $0x10, s11;
	s2 =	sand.u32 $0x7C00, s4;
	[tilespmem:s26+$0x10000] =	vst v4;
	(pc) =	sbr.rel @p0 .LBB2_3-.Ltmp0, $4  }
0x31: {  	s26 =	smov.u32 s29;
	s1 =	sor.u32 s1, s2;
	v4 =	vcvt.s32.f32 v2;
	s2 =	spop (v2sf)  }
0x32: {  	s29 =	smov.u32 s28;
	s28 =	smov.u32 s30;
	v2 =	vld [tilespmem:s1+$0x8000];
	s7 =	sadd.f32 s2, s7  }
0x33: {  	s30 =	smov.u32 s31;
	s31 =	smov.u32 s0;
	s0 =	smov.u32 s1;
	v5 =	vmul.f32 v4, v3;
	v6, _, _ =	vpop (xrf2)  }
0x34: {  	v3 =	vld [tilespmem:s0+$0x0];
	(v2sf) =	vpush v6, $0xF;
	v4 =	vadd.f32 s7, v0;
	v0 =	vmovc v1;
	v1 =	vmov v6  }
0x35: {  	(xrf2) =	vadd.scan.msk.f32 $0xffff, v5;
	_ =	sdelay $0x7  }
0x36: {  	v5, _, _ =	vpop (xrf2)  }
0x37: {  	(v2sf) =	vpush v5, $0xF  }
0x38: {  	v6, _, _ =	vpop (xrf2)  }
0x39: {  	(v2sf) =	vpush v6, $0xF;
	_ =	sdelay $0x2  }
0x3a: {  	v2 =	vcvt.s32.f32 v2;
	_ =	sdelay $0x1  }
0x3b: {  	v2 =	vmul.f32 v2, v3;
	_ =	sdelay $0x1  }
0x3c: {  	s1 =	spop (v2sf);
	(xrf2) =	vadd.scan.msk.f32 $0xffff, v2  }
0x3d: {  	s1 =	sadd.f32 s1, s7  }
0x3e: {  	s2 =	spop (v2sf)  }
0x3f: {  	s2 =	sadd.f32 s2, s1  }
0x40: {  	s4 =	spop (v2sf)  }
0x41: {  	s4 =	sadd.f32 s4, s2  }
0x42: {  	v1 =	vadd.f32 s2, v1;
	s11 =	spop (v2sf)  }
0x43: {  	v0 =	vadd.f32 s1, v0;
	s11 =	sadd.f32 s11, s4  }
0x44: {  	[tilespmem:s26+$0x10000] =	vst v4;
	s26 =	spop (v2sf)  }
0x45: {  	[tilespmem:s29+$0x10000] =	vst v0;
	v0 =	vadd.f32 s4, v5;
	s2 =	sadd.f32 s26, s11  }
0x46: {  	[tilespmem:s28+$0x10000] =	vst v1;
	v1, _, _ =	vpop (xrf2);
	v2 =	vadd.f32 s11, v6  }
0x47: {  	[tilespmem:s30+$0x10000] =	vst v0;
	v0 =	vadd.f32 s2, v1  }
0x48: {  	[tilespmem:s31+$0x10000] =	vst v2  }
0x49: {  	s16 =	sor.u32 s16, s15;
	[tilespmem:s0+$0x10000] =	vst v0  }
0x4a: {  	v0 =	vld [tilespmem:s16+$0x8080]  }
0x4b: {  	s17 =	sor.u32 s18, s17;
	v2 =	vld [tilespmem:s16+$0x80]  }
0x4c: {  	s15 =	sor.u32 s20, s19;
	v3 =	vld [tilespmem:s17+$0x8080]  }
0x4d: {  	v4 =	vld [tilespmem:s15+$0x8080]  }
0x4e: {  	v5 =	vld [tilespmem:s17+$0x80]  }
0x4f: {  	v6 =	vld [tilespmem:s15+$0x80];
	v0 =	vcvt.s32.f32 v0;
	_ =	sdelay $0x1  }
0x50: {  	v3 =	vcvt.s32.f32 v3;
	v0 =	vmul.f32 v0, v2  }
0x51: {  	(v2sf) =	vpush v1, $0xF;
	v1 =	vcvt.s32.f32 v4  }
0x52: {  	v2 =	vmul.f32 v3, v5;
	(xrf2) =	vadd.scan.msk.f32 $0xffff, v0  }
0x53: {  	v0 =	vmul.f32 v1, v6  }
0x54: {  	s18 =	sor.u32 s22, s21;
	(xrf2) =	vadd.scan.msk.f32 $0xffff, v2  }
0x55: {  	(xrf2) =	vadd.scan.msk.f32 $0xffff, v0;
	v0 =	vld [tilespmem:s18+$0x8080];
	_ =	sdelay $0x3  }
0x56: {  	v1 =	vld [tilespmem:s18+$0x80]  }
0x57: {  	v0 =	vcvt.s32.f32 v0;
	_ =	sdelay $0x1  }
0x58: {  	v4, _, _ =	vpop (xrf2)  }
0x59: {  	(v2sf) =	vpush v4, $0xF  }
0x5a: {  	v5 =	vmul.f32 v0, v1;
	v0, _, _ =	vpop (xrf2)  }
0x5b: {  	(v2sf) =	vpush v0, $0xF;
	v1, _, _ =	vpop (xrf2)  }
0x5c: {  	s19 =	sor.u32 s25, s23;
	s31 =	spop (v2sf);
	(v2sf) =	vpush v1, $0xF  }
0x5d: {  	v2 =	vld [tilespmem:s19+$0x8080];
	_ =	sdelay $0x1  }
0x5e: {  	v3 =	vld [tilespmem:s19+$0x80]  }
0x5f: {  	s0 =	simm.s32 $0x280;
	(xrf2) =	vadd.scan.msk.f32 $0xffff, v5  }
0x60: {  	s30 =	sand.u32 $0x7C00, s0  }
0x61: {  	s20 =	sor.u32 s30, s24;
	v6 =	vcvt.s32.f32 v2  }
0x62: {  	v2 =	vld [tilespmem:s20+$0x8080]  }
0x63: {  	v5 =	vmul.f32 v6, v3  }
0x64: {  	s4 =	simm.s32 $0x60;
	v3 =	vld [tilespmem:s20+$0x80];
	v4 =	vadd.f32 s14, v4  }
.LBB2_5:
0x65: {  	s1 =	sand.u32 $0x70, s4;
	s0 =	sadd.s32 $0x80, s0;
	(xrf2) =	vadd.scan.msk.f32 $0xffff, v5;
	p0 =	sne.s32 s4, $0xFF0  }
.Ltmp1:
0x66: {  	s4 =	sadd.s32 $0x10, s4;
	s2 =	sand.u32 $0x7C00, s0;
	[tilespmem:s16+$0x10080] =	vst v4;
	(pc) =	sbr.rel @p0 .LBB2_5-.Ltmp1, $4  }
0x67: {  	s16 =	smov.u32 s17;
	s1 =	sor.u32 s2, s1;
	v4 =	vcvt.s32.f32 v2;
	s2 =	spop (v2sf)  }
0x68: {  	v2 =	vld [tilespmem:s1+$0x8080];
	s14 =	sadd.f32 s2, s14  }
0x69: {  	s17 =	smov.u32 s15;
	s15 =	smov.u32 s18;
	s18 =	smov.u32 s19;
	v5 =	vmul.f32 v4, v3;
	v6, _, _ =	vpop (xrf2)  }
0x6a: {  	s19 =	smov.u32 s20;
	s20 =	smov.u32 s1;
	v3 =	vld [tilespmem:s1+$0x80];
	(v2sf) =	vpush v6, $0xF;
	v4 =	vadd.f32 s14, v0;
	v0 =	vmovc v1;
	v1 =	vmov v6  }
0x6b: {  	(xrf2) =	vadd.scan.msk.f32 $0xffff, v5;
	_ =	sdelay $0x7  }
0x6c: {  	v5, _, _ =	vpop (xrf2)  }
0x6d: {  	(v2sf) =	vpush v5, $0xF  }
0x6e: {  	v6, _, _ =	vpop (xrf2)  }
0x6f: {  	(v2sf) =	vpush v6, $0xF;
	_ =	sdelay $0x2  }
0x70: {  	v2 =	vcvt.s32.f32 v2;
	_ =	sdelay $0x1  }
0x71: {  	v2 =	vmul.f32 v2, v3;
	_ =	sdelay $0x1  }
0x72: {  	s0 =	spop (v2sf);
	(xrf2) =	vadd.scan.msk.f32 $0xffff, v2  }
0x73: {  	s0 =	sadd.f32 s0, s14  }
0x74: {  	s1 =	spop (v2sf)  }
0x75: {  	s1 =	sadd.f32 s1, s0  }
0x76: {  	s2 =	spop (v2sf)  }
0x77: {  	s2 =	sadd.f32 s2, s1  }
0x78: {  	v1 =	vadd.f32 s1, v1;
	s4 =	spop (v2sf)  }
0x79: {  	v0 =	vadd.f32 s0, v0;
	s7 =	sadd.f32 s4, s2  }
0x7a: {  	[tilespmem:s16+$0x10080] =	vst v4;
	s11 =	spop (v2sf)  }
0x7b: {  	[tilespmem:s17+$0x10080] =	vst v0;
	v0 =	vadd.f32 s2, v5;
	s1 =	sadd.f32 s11, s7  }
0x7c: {  	[tilespmem:s15+$0x10080] =	vst v1;
	v1, _, _ =	vpop (xrf2);
	v2 =	vadd.f32 s7, v6  }
0x7d: {  	s14 =	simm.s32 $0x0;
	[tilespmem:s18+$0x10080] =	vst v0;
	v0 =	vadd.f32 s1, v1  }
0x7e: {  	s16 =	simm.s32 $0x10;
	s0 =	sand.u32 $0x7C00, s14;
	s15 =	sand.u32 $0x70, s14;
	[tilespmem:s19+$0x10080] =	vst v2  }
0x7f: {  	s17 =	sand.u32 $0x70, s16;
	s14 =	sor.u32 s0, s15;
	s18 =	simm.s32 $0x80;
	[tilespmem:s20+$0x10080] =	vst v0  }
0x80: {  	s19 =	simm.s32 $0x20;
	s1 =	sand.u32 $0x7C00, s18;
	s20 =	simm.s32 $0x100;
	v0 =	vld [tilespmem:s14+$0x8100]  }
0x81: {  	s21 =	sand.u32 $0x70, s19;
	s16 =	sor.u32 s1, s17;
	v2 =	vld [tilespmem:s14+$0x100];
	s22 =	sand.u32 $0x7C00, s20  }
0x82: {  	v3 =	vld [tilespmem:s16+$0x8100];
	s15 =	sor.u32 s22, s21  }
0x83: {  	v4 =	vld [tilespmem:s15+$0x8100]  }
0x84: {  	v5 =	vld [tilespmem:s16+$0x100]  }
0x85: {  	v6 =	vld [tilespmem:s15+$0x100];
	v0 =	vcvt.s32.f32 v0;
	_ =	sdelay $0x1  }
0x86: {  	v3 =	vcvt.s32.f32 v3;
	v0 =	vmul.f32 v0, v2  }
0x87: {  	(v2sf) =	vpush v1, $0xF;
	v1 =	vcvt.s32.f32 v4  }
0x88: {  	s23 =	simm.s32 $0x30;
	s24 =	simm.s32 $0x180;
	v2 =	vmul.f32 v3, v5;
	(xrf2) =	vadd.scan.msk.f32 $0xffff, v0  }
0x89: {  	s0 =	sand.u32 $0x70, s23;
	s1 =	sand.u32 $0x7C00, s24;
	v0 =	vmul.f32 v1, v6  }
0x8a: {  	s17 =	sor.u32 s1, s0;
	(xrf2) =	vadd.scan.msk.f32 $0xffff, v2  }
0x8b: {  	(xrf2) =	vadd.scan.msk.f32 $0xffff, v0;
	v0 =	vld [tilespmem:s17+$0x8100];
	_ =	sdelay $0x3  }
0x8c: {  	v1 =	vld [tilespmem:s17+$0x100]  }
0x8d: {  	v0 =	vcvt.s32.f32 v0;
	_ =	sdelay $0x1  }
0x8e: {  	v4, _, _ =	vpop (xrf2)  }
0x8f: {  	(v2sf) =	vpush v4, $0xF  }
0x90: {  	s25 =	simm.s32 $0x40;
	s26 =	simm.s32 $0x200;
	v5 =	vmul.f32 v0, v1;
	v0, _, _ =	vpop (xrf2)  }
0x91: {  	s28 =	sand.u32 $0x70, s25;
	s0 =	sand.u32 $0x7C00, s26;
	(v2sf) =	vpush v0, $0xF;
	v1, _, _ =	vpop (xrf2)  }
0x92: {  	s18 =	sor.u32 s0, s28;
	s31 =	spop (v2sf);
	(v2sf) =	vpush v1, $0xF  }
0x93: {  	v2 =	vld [tilespmem:s18+$0x8100];
	_ =	sdelay $0x1  }
0x94: {  	v3 =	vld [tilespmem:s18+$0x100]  }
0x95: {  	s29 =	simm.s32 $0x50;
	s23 =	simm.s32 $0x280;
	(xrf2) =	vadd.scan.msk.f32 $0xffff, v5  }
0x96: {  	s30 =	sand.u32 $0x7C00, s23;
	s20 =	sand.u32 $0x70, s29  }
0x97: {  	s21 =	sor.u32 s30, s20;
	v6 =	vcvt.s32.f32 v2  }
0x98: {  	s4 =	smov.u32 s14;
	s19 =	simm.f32 $0.0e+00;
	v2 =	vld [tilespmem:s21+$0x8100]  }
0x99: {  	s7 =	simm.s32 $0x60;
	s25 =	smov.u32 s16;
	s26 =	simm.f32 $0.0e+00;
	v5 =	vmul.f32 v6, v3  }
0x9a: {  	s24 =	smov.u32 s17;
	s0 =	smov.u32 s18;
	s22 =	smov.u32 s15;
	v3 =	vld [tilespmem:s21+$0x100];
	v4 =	vadd.f32 s19, v4  }
.LBB2_7:
0x9b: {  	s1 =	sand.u32 $0x70, s7;
	s23 =	sadd.s32 $0x80, s23;
	(xrf2) =	vadd.scan.msk.f32 $0xffff, v5;
	p0 =	sne.s32 s7, $0xFF0  }
.Ltmp2:
0x9c: {  	s7 =	sadd.s32 $0x10, s7;
	s2 =	sand.u32 $0x7C00, s23;
	[tilespmem:s4+$0x10100] =	vst v4;
	(pc) =	sbr.rel @p0 .LBB2_7-.Ltmp2, $4  }
0x9d: {  	s4 =	smov.u32 s25;
	s1 =	sor.u32 s2, s1;
	v4 =	vcvt.s32.f32 v2;
	s2 =	spop (v2sf)  }
0x9e: {  	s25 =	smov.u32 s22;
	s22 =	smov.u32 s24;
	v2 =	vld [tilespmem:s1+$0x8100];
	s26 =	sadd.f32 s2, s26  }
0x9f: {  	s24 =	smov.u32 s0;
	s0 =	smov.u32 s21;
	s21 =	smov.u32 s1;
	v5 =	vmul.f32 v4, v3;
	v6, _, _ =	vpop (xrf2)  }
0xa0: {  	v3 =	vld [tilespmem:s21+$0x100];
	(v2sf) =	vpush v6, $0xF;
	v4 =	vadd.f32 s26, v0;
	v0 =	vmovc v1;
	v1 =	vmov v6  }
0xa1: {  	(xrf2) =	vadd.scan.msk.f32 $0xffff, v5;
	_ =	sdelay $0x7  }
0xa2: {  	v5, _, _ =	vpop (xrf2)  }
0xa3: {  	(v2sf) =	vpush v5, $0xF  }
0xa4: {  	v6, _, _ =	vpop (xrf2)  }
0xa5: {  	(v2sf) =	vpush v6, $0xF;
	_ =	sdelay $0x2  }
0xa6: {  	v2 =	vcvt.s32.f32 v2;
	_ =	sdelay $0x1  }
0xa7: {  	v2 =	vmul.f32 v2, v3;
	_ =	sdelay $0x1  }
0xa8: {  	s1 =	spop (v2sf);
	(xrf2) =	vadd.scan.msk.f32 $0xffff, v2  }
0xa9: {  	s1 =	sadd.f32 s1, s26  }
0xaa: {  	s2 =	spop (v2sf)  }
0xab: {  	s2 =	sadd.f32 s2, s1  }
0xac: {  	s7 =	spop (v2sf)  }
0xad: {  	s7 =	sadd.f32 s7, s2  }
0xae: {  	v1 =	vadd.f32 s2, v1;
	s11 =	spop (v2sf)  }
0xaf: {  	v0 =	vadd.f32 s1, v0;
	s28 =	sadd.f32 s11, s7  }
0xb0: {  	[tilespmem:s4+$0x10100] =	vst v4;
	s29 =	spop (v2sf)  }
0xb1: {  	[tilespmem:s25+$0x10100] =	vst v0;
	v0 =	vadd.f32 s7, v5;
	s2 =	sadd.f32 s29, s28  }
0xb2: {  	[tilespmem:s22+$0x10100] =	vst v1;
	v1, _, _ =	vpop (xrf2);
	v2 =	vadd.f32 s28, v6  }
0xb3: {  	[tilespmem:s24+$0x10100] =	vst v0;
	v0 =	vadd.f32 s2, v1  }
0xb4: {  	[tilespmem:s0+$0x10100] =	vst v2  }
0xb5: {  	[tilespmem:s21+$0x10100] =	vst v0  }
0xb6: {  	v0 =	vld [tilespmem:s14+$0x8180]  }
0xb7: {  	v2 =	vld [tilespmem:s14+$0x180]  }
0xb8: {  	v3 =	vld [tilespmem:s16+$0x8180]  }
0xb9: {  	v4 =	vld [tilespmem:s15+$0x8180]  }
0xba: {  	v5 =	vld [tilespmem:s16+$0x180]  }
0xbb: {  	v6 =	vld [tilespmem:s15+$0x180];
	v0 =	vcvt.s32.f32 v0;
	_ =	sdelay $0x1  }
0xbc: {  	v3 =	vcvt.s32.f32 v3;
	v0 =	vmul.f32 v0, v2  }
0xbd: {  	(v2sf) =	vpush v1, $0xF;
	v1 =	vcvt.s32.f32 v4  }
0xbe: {  	v2 =	vmul.f32 v3, v5;
	(xrf2) =	vadd.scan.msk.f32 $0xffff, v0  }
0xbf: {  	v0 =	vmul.f32 v1, v6  }
0xc0: {  	(xrf2) =	vadd.scan.msk.f32 $0xffff, v2  }
0xc1: {  	(xrf2) =	vadd.scan.msk.f32 $0xffff, v0;
	v0 =	vld [tilespmem:s17+$0x8180];
	_ =	sdelay $0x3  }
0xc2: {  	v1 =	vld [tilespmem:s17+$0x180]  }
0xc3: {  	v0 =	vcvt.s32.f32 v0;
	_ =	sdelay $0x1  }
0xc4: {  	v4, _, _ =	vpop (xrf2)  }
0xc5: {  	(v2sf) =	vpush v4, $0xF  }
0xc6: {  	v5 =	vmul.f32 v0, v1;
	v0, _, _ =	vpop (xrf2)  }
0xc7: {  	(v2sf) =	vpush v0, $0xF;
	v1, _, _ =	vpop (xrf2)  }
0xc8: {  	s31 =	spop (v2sf);
	(v2sf) =	vpush v1, $0xF  }
0xc9: {  	v2 =	vld [tilespmem:s18+$0x8180];
	_ =	sdelay $0x1  }
0xca: {  	v3 =	vld [tilespmem:s18+$0x180]  }
0xcb: {  	s0 =	simm.s32 $0x280;
	(xrf2) =	vadd.scan.msk.f32 $0xffff, v5  }
0xcc: {  	s30 =	sand.u32 $0x7C00, s0  }
0xcd: {  	s20 =	sor.u32 s30, s20;
	v6 =	vcvt.s32.f32 v2  }
0xce: {  	v2 =	vld [tilespmem:s20+$0x8180]  }
0xcf: {  	v5 =	vmul.f32 v6, v3  }
0xd0: {  	s4 =	simm.s32 $0x60;
	v3 =	vld [tilespmem:s20+$0x180];
	v4 =	vadd.f32 s19, v4  }
.LBB2_9:
0xd1: {  	s1 =	sand.u32 $0x70, s4;
	s0 =	sadd.s32 $0x80, s0;
	(xrf2) =	vadd.scan.msk.f32 $0xffff, v5;
	p0 =	sne.s32 s4, $0xFF0  }
.Ltmp3:
0xd2: {  	s4 =	sadd.s32 $0x10, s4;
	s2 =	sand.u32 $0x7C00, s0;
	[tilespmem:s14+$0x10180] =	vst v4;
	(pc) =	sbr.rel @p0 .LBB2_9-.Ltmp3, $4  }
0xd3: {  	s14 =	smov.u32 s16;
	s1 =	sor.u32 s2, s1;
	v4 =	vcvt.s32.f32 v2;
	s2 =	spop (v2sf)  }
0xd4: {  	v2 =	vld [tilespmem:s1+$0x8180];
	s19 =	sadd.f32 s2, s19  }
0xd5: {  	s16 =	smov.u32 s15;
	s15 =	smov.u32 s17;
	s17 =	smov.u32 s18;
	v5 =	vmul.f32 v4, v3;
	v6, _, _ =	vpop (xrf2)  }
0xd6: {  	s18 =	smov.u32 s20;
	s20 =	smov.u32 s1;
	v3 =	vld [tilespmem:s1+$0x180];
	(v2sf) =	vpush v6, $0xF;
	v4 =	vadd.f32 s19, v0;
	v0 =	vmovc v1;
	v1 =	vmov v6  }
0xd7: {  	(xrf2) =	vadd.scan.msk.f32 $0xffff, v5;
	_ =	sdelay $0x7  }
0xd8: {  	v5, _, _ =	vpop (xrf2)  }
0xd9: {  	(v2sf) =	vpush v5, $0xF  }
0xda: {  	v6, _, _ =	vpop (xrf2)  }
0xdb: {  	(v2sf) =	vpush v6, $0xF;
	_ =	sdelay $0x2  }
0xdc: {  	v2 =	vcvt.s32.f32 v2;
	_ =	sdelay $0x1  }
0xdd: {  	v2 =	vmul.f32 v2, v3;
	_ =	sdelay $0x1  }
0xde: {  	s0 =	spop (v2sf);
	(xrf2) =	vadd.scan.msk.f32 $0xffff, v2  }
0xdf: {  	s0 =	sadd.f32 s0, s19  }
0xe0: {  	s1 =	spop (v2sf)  }
0xe1: {  	s1 =	sadd.f32 s1, s0  }
0xe2: {  	s2 =	spop (v2sf)  }
0xe3: {  	s2 =	sadd.f32 s2, s1  }
0xe4: {  	v1 =	vadd.f32 s1, v1;
	s4 =	spop (v2sf)  }
0xe5: {  	v0 =	vadd.f32 s0, v0;
	s7 =	sadd.f32 s4, s2  }
0xe6: {  	[tilespmem:s14+$0x10180] =	vst v4;
	s11 =	spop (v2sf)  }
0xe7: {  	[tilespmem:s16+$0x10180] =	vst v0;
	v0 =	vadd.f32 s2, v5;
	s1 =	sadd.f32 s11, s7  }
0xe8: {  	[tilespmem:s15+$0x10180] =	vst v1;
	v1, _, _ =	vpop (xrf2);
	v2 =	vadd.f32 s7, v6  }
0xe9: {  	s14 =	simm.s32 $0x0;
	[tilespmem:s17+$0x10180] =	vst v0;
	v0 =	vadd.f32 s1, v1  }
0xea: {  	s19 =	simm.s32 $0x20;
	s0 =	sand.u32 $0x7C00, s14;
	s15 =	sand.u32 $0x70, s14;
	[tilespmem:s18+$0x10180] =	vst v2  }
0xeb: {  	s16 =	simm.s32 $0x10;
	s14 =	sor.u32 s0, s15;
	s18 =	simm.s32 $0x80;
	[tilespmem:s20+$0x10180] =	vst v0  }
0xec: {  	s17 =	sand.u32 $0x70, s16;
	s1 =	sand.u32 $0x7C00, s18;
	s20 =	simm.s32 $0x100;
	v0 =	vld [tilespmem:s14+$0x8200]  }
0xed: {  	s21 =	sand.u32 $0x70, s19;
	s16 =	sor.u32 s1, s17;
	v2 =	vld [tilespmem:s14+$0x200];
	s22 =	sand.u32 $0x7C00, s20  }
0xee: {  	v3 =	vld [tilespmem:s16+$0x8200];
	s15 =	sor.u32 s22, s21  }
0xef: {  	v4 =	vld [tilespmem:s15+$0x8200]  }
0xf0: {  	v5 =	vld [tilespmem:s16+$0x200]  }
0xf1: {  	v6 =	vld [tilespmem:s15+$0x200];
	v0 =	vcvt.s32.f32 v0;
	_ =	sdelay $0x1  }
0xf2: {  	v3 =	vcvt.s32.f32 v3;
	v0 =	vmul.f32 v0, v2  }
0xf3: {  	(v2sf) =	vpush v1, $0xF;
	v1 =	vcvt.s32.f32 v4  }
0xf4: {  	s23 =	simm.s32 $0x30;
	s24 =	simm.s32 $0x180;
	v2 =	vmul.f32 v3, v5;
	(xrf2) =	vadd.scan.msk.f32 $0xffff, v0  }
0xf5: {  	s0 =	sand.u32 $0x70, s23;
	s1 =	sand.u32 $0x7C00, s24;
	v0 =	vmul.f32 v1, v6  }
0xf6: {  	s17 =	sor.u32 s1, s0;
	(xrf2) =	vadd.scan.msk.f32 $0xffff, v2  }
0xf7: {  	(xrf2) =	vadd.scan.msk.f32 $0xffff, v0;
	v0 =	vld [tilespmem:s17+$0x8200];
	_ =	sdelay $0x3  }
0xf8: {  	v1 =	vld [tilespmem:s17+$0x200]  }
0xf9: {  	v0 =	vcvt.s32.f32 v0;
	_ =	sdelay $0x1  }
0xfa: {  	v4, _, _ =	vpop (xrf2)  }
0xfb: {  	(v2sf) =	vpush v4, $0xF  }
0xfc: {  	s25 =	simm.s32 $0x40;
	s26 =	simm.s32 $0x200;
	v5 =	vmul.f32 v0, v1;
	v0, _, _ =	vpop (xrf2)  }
0xfd: {  	s28 =	sand.u32 $0x70, s25;
	s0 =	sand.u32 $0x7C00, s26;
	(v2sf) =	vpush v0, $0xF;
	v1, _, _ =	vpop (xrf2)  }
0xfe: {  	s18 =	sor.u32 s0, s28;
	s31 =	spop (v2sf);
	(v2sf) =	vpush v1, $0xF  }
0xff: {  	v2 =	vld [tilespmem:s18+$0x8200];
	_ =	sdelay $0x1  }
0x100: {  	v3 =	vld [tilespmem:s18+$0x200]  }
0x101: {  	s29 =	simm.s32 $0x50;
	s23 =	simm.s32 $0x280;
	(xrf2) =	vadd.scan.msk.f32 $0xffff, v5  }
0x102: {  	s30 =	sand.u32 $0x7C00, s23;
	s20 =	sand.u32 $0x70, s29  }
0x103: {  	s21 =	sor.u32 s30, s20;
	v6 =	vcvt.s32.f32 v2  }
0x104: {  	s19 =	simm.f32 $0.0e+00;
	s4 =	smov.u32 s14;
	v2 =	vld [tilespmem:s21+$0x8200]  }
0x105: {  	s7 =	simm.s32 $0x60;
	s25 =	smov.u32 s16;
	s26 =	simm.f32 $0.0e+00;
	v5 =	vmul.f32 v6, v3  }
0x106: {  	s24 =	smov.u32 s17;
	s0 =	smov.u32 s18;
	s22 =	smov.u32 s15;
	v3 =	vld [tilespmem:s21+$0x200];
	v4 =	vadd.f32 s19, v4  }
.LBB2_11:
0x107: {  	s1 =	sand.u32 $0x70, s7;
	s23 =	sadd.s32 $0x80, s23;
	(xrf2) =	vadd.scan.msk.f32 $0xffff, v5;
	p0 =	sne.s32 s7, $0xFF0  }
.Ltmp4:
0x108: {  	s7 =	sadd.s32 $0x10, s7;
	s2 =	sand.u32 $0x7C00, s23;
	[tilespmem:s4+$0x10200] =	vst v4;
	(pc) =	sbr.rel @p0 .LBB2_11-.Ltmp4, $4  }
0x109: {  	s4 =	smov.u32 s25;
	s1 =	sor.u32 s2, s1;
	v4 =	vcvt.s32.f32 v2;
	s2 =	spop (v2sf)  }
0x10a: {  	s25 =	smov.u32 s22;
	s22 =	smov.u32 s24;
	v2 =	vld [tilespmem:s1+$0x8200];
	s26 =	sadd.f32 s2, s26  }
0x10b: {  	s24 =	smov.u32 s0;
	s0 =	smov.u32 s21;
	s21 =	smov.u32 s1;
	v5 =	vmul.f32 v4, v3;
	v6, _, _ =	vpop (xrf2)  }
0x10c: {  	v3 =	vld [tilespmem:s21+$0x200];
	(v2sf) =	vpush v6, $0xF;
	v4 =	vadd.f32 s26, v0;
	v0 =	vmovc v1;
	v1 =	vmov v6  }
0x10d: {  	(xrf2) =	vadd.scan.msk.f32 $0xffff, v5;
	_ =	sdelay $0x7  }
0x10e: {  	v5, _, _ =	vpop (xrf2)  }
0x10f: {  	(v2sf) =	vpush v5, $0xF  }
0x110: {  	v6, _, _ =	vpop (xrf2)  }
0x111: {  	(v2sf) =	vpush v6, $0xF;
	_ =	sdelay $0x2  }
0x112: {  	v2 =	vcvt.s32.f32 v2;
	_ =	sdelay $0x1  }
0x113: {  	v2 =	vmul.f32 v2, v3;
	_ =	sdelay $0x1  }
0x114: {  	s1 =	spop (v2sf);
	(xrf2) =	vadd.scan.msk.f32 $0xffff, v2  }
0x115: {  	s1 =	sadd.f32 s1, s26  }
0x116: {  	s2 =	spop (v2sf)  }
0x117: {  	s2 =	sadd.f32 s2, s1  }
0x118: {  	s7 =	spop (v2sf)  }
0x119: {  	s7 =	sadd.f32 s7, s2  }
0x11a: {  	v1 =	vadd.f32 s2, v1;
	s11 =	spop (v2sf)  }
0x11b: {  	v0 =	vadd.f32 s1, v0;
	s28 =	sadd.f32 s11, s7  }
0x11c: {  	[tilespmem:s4+$0x10200] =	vst v4;
	s29 =	spop (v2sf)  }
0x11d: {  	[tilespmem:s25+$0x10200] =	vst v0;
	v0 =	vadd.f32 s7, v5;
	s2 =	sadd.f32 s29, s28  }
0x11e: {  	[tilespmem:s22+$0x10200] =	vst v1;
	v1, _, _ =	vpop (xrf2);
	v2 =	vadd.f32 s28, v6  }
0x11f: {  	[tilespmem:s24+$0x10200] =	vst v0;
	v0 =	vadd.f32 s2, v1  }
0x120: {  	[tilespmem:s0+$0x10200] =	vst v2  }
0x121: {  	[tilespmem:s21+$0x10200] =	vst v0  }
0x122: {  	v0 =	vld [tilespmem:s14+$0x8280]  }
0x123: {  	v2 =	vld [tilespmem:s14+$0x280]  }
0x124: {  	v3 =	vld [tilespmem:s16+$0x8280]  }
0x125: {  	v4 =	vld [tilespmem:s15+$0x8280]  }
0x126: {  	v5 =	vld [tilespmem:s16+$0x280]  }
0x127: {  	v6 =	vld [tilespmem:s15+$0x280];
	v0 =	vcvt.s32.f32 v0;
	_ =	sdelay $0x1  }
0x128: {  	v3 =	vcvt.s32.f32 v3;
	v0 =	vmul.f32 v0, v2  }
0x129: {  	(v2sf) =	vpush v1, $0xF;
	v1 =	vcvt.s32.f32 v4  }
0x12a: {  	v2 =	vmul.f32 v3, v5;
	(xrf2) =	vadd.scan.msk.f32 $0xffff, v0  }
0x12b: {  	v0 =	vmul.f32 v1, v6  }
0x12c: {  	(xrf2) =	vadd.scan.msk.f32 $0xffff, v2  }
0x12d: {  	(xrf2) =	vadd.scan.msk.f32 $0xffff, v0;
	v0 =	vld [tilespmem:s17+$0x8280];
	_ =	sdelay $0x3  }
0x12e: {  	v1 =	vld [tilespmem:s17+$0x280]  }
0x12f: {  	v0 =	vcvt.s32.f32 v0;
	_ =	sdelay $0x1  }
0x130: {  	v4, _, _ =	vpop (xrf2)  }
0x131: {  	(v2sf) =	vpush v4, $0xF  }
0x132: {  	v5 =	vmul.f32 v0, v1;
	v0, _, _ =	vpop (xrf2)  }
0x133: {  	(v2sf) =	vpush v0, $0xF;
	v1, _, _ =	vpop (xrf2)  }
0x134: {  	s31 =	spop (v2sf);
	(v2sf) =	vpush v1, $0xF  }
0x135: {  	v2 =	vld [tilespmem:s18+$0x8280];
	_ =	sdelay $0x1  }
0x136: {  	v3 =	vld [tilespmem:s18+$0x280]  }
0x137: {  	s0 =	simm.s32 $0x280;
	(xrf2) =	vadd.scan.msk.f32 $0xffff, v5  }
0x138: {  	s30 =	sand.u32 $0x7C00, s0  }
0x139: {  	s20 =	sor.u32 s30, s20;
	v6 =	vcvt.s32.f32 v2  }
0x13a: {  	v2 =	vld [tilespmem:s20+$0x8280]  }
0x13b: {  	v5 =	vmul.f32 v6, v3  }
0x13c: {  	s4 =	simm.s32 $0x60;
	v3 =	vld [tilespmem:s20+$0x280];
	v4 =	vadd.f32 s19, v4  }
.LBB2_13:
0x13d: {  	s1 =	sand.u32 $0x70, s4;
	s0 =	sadd.s32 $0x80, s0;
	(xrf2) =	vadd.scan.msk.f32 $0xffff, v5;
	p0 =	sne.s32 s4, $0xFF0  }
.Ltmp5:
0x13e: {  	s4 =	sadd.s32 $0x10, s4;
	s2 =	sand.u32 $0x7C00, s0;
	[tilespmem:s14+$0x10280] =	vst v4;
	(pc) =	sbr.rel @p0 .LBB2_13-.Ltmp5, $4  }
0x13f: {  	s14 =	smov.u32 s16;
	s1 =	sor.u32 s2, s1;
	v4 =	vcvt.s32.f32 v2;
	s2 =	spop (v2sf)  }
0x140: {  	v2 =	vld [tilespmem:s1+$0x8280];
	s19 =	sadd.f32 s2, s19  }
0x141: {  	s16 =	smov.u32 s15;
	s15 =	smov.u32 s17;
	s17 =	smov.u32 s18;
	v5 =	vmul.f32 v4, v3;
	v6, _, _ =	vpop (xrf2)  }
0x142: {  	s18 =	smov.u32 s20;
	s20 =	smov.u32 s1;
	v3 =	vld [tilespmem:s1+$0x280];
	(v2sf) =	vpush v6, $0xF;
	v4 =	vadd.f32 s19, v0;
	v0 =	vmovc v1;
	v1 =	vmov v6  }
0x143: {  	(xrf2) =	vadd.scan.msk.f32 $0xffff, v5;
	_ =	sdelay $0x7  }
0x144: {  	v5, _, _ =	vpop (xrf2)  }
0x145: {  	(v2sf) =	vpush v5, $0xF  }
0x146: {  	v6, _, _ =	vpop (xrf2)  }
0x147: {  	(v2sf) =	vpush v6, $0xF;
	_ =	sdelay $0x2  }
0x148: {  	v2 =	vcvt.s32.f32 v2;
	_ =	sdelay $0x1  }
0x149: {  	v2 =	vmul.f32 v2, v3;
	_ =	sdelay $0x1  }
0x14a: {  	s0 =	spop (v2sf);
	(xrf2) =	vadd.scan.msk.f32 $0xffff, v2  }
0x14b: {  	s0 =	sadd.f32 s0, s19  }
0x14c: {  	s1 =	spop (v2sf)  }
0x14d: {  	s1 =	sadd.f32 s1, s0  }
0x14e: {  	s2 =	spop (v2sf)  }
0x14f: {  	s2 =	sadd.f32 s2, s1  }
0x150: {  	v1 =	vadd.f32 s1, v1;
	s4 =	spop (v2sf)  }
0x151: {  	v0 =	vadd.f32 s0, v0;
	s31 =	sadd.f32 s4, s2  }
0x152: {  	[tilespmem:s14+$0x10280] =	vst v4;
	s4 =	spop (v2sf)  }
0x153: {  	[tilespmem:s16+$0x10280] =	vst v0;
	v0 =	vadd.f32 s2, v5;
	s1 =	sadd.f32 s4, s31  }
0x154: {  	[tilespmem:s15+$0x10280] =	vst v1;
	v1, _, _ =	vpop (xrf2);
	v2 =	vadd.f32 s31, v6  }
0x155: {  	s15 =	simm.s32 $0x0;
	[tilespmem:s17+$0x10280] =	vst v0;
	v0 =	vadd.f32 s1, v1  }
0x156: {  	s14 =	simm.s32 $0x10;
	s7 =	sand.u32 $0x70, s15;
	s11 =	sand.u32 $0x7C00, s15;
	[tilespmem:s18+$0x10280] =	vst v2  }
0x157: {  	s19 =	simm.s32 $0x20;
	s16 =	sor.u32 s11, s7;
	s18 =	simm.s32 $0x80;
	[tilespmem:s20+$0x10280] =	vst v0  }
0x158: {  	s17 =	sand.u32 $0x70, s14;
	s1 =	sand.u32 $0x7C00, s18;
	s20 =	simm.s32 $0x100;
	v0 =	vld [tilespmem:s16+$0x8300]  }
0x159: {  	s21 =	sand.u32 $0x70, s19;
	s18 =	sor.u32 s1, s17;
	v2 =	vld [tilespmem:s16+$0x300];
	s22 =	sand.u32 $0x7C00, s20  }
0x15a: {  	v3 =	vld [tilespmem:s18+$0x8300];
	s17 =	sor.u32 s22, s21  }
0x15b: {  	v4 =	vld [tilespmem:s17+$0x8300]  }
0x15c: {  	v5 =	vld [tilespmem:s18+$0x300]  }
0x15d: {  	v6 =	vld [tilespmem:s17+$0x300];
	v0 =	vcvt.s32.f32 v0;
	_ =	sdelay $0x1  }
0x15e: {  	v3 =	vcvt.s32.f32 v3;
	v0 =	vmul.f32 v0, v2  }
0x15f: {  	(v2sf) =	vpush v1, $0xF;
	v1 =	vcvt.s32.f32 v4  }
0x160: {  	s23 =	simm.s32 $0x30;
	s24 =	simm.s32 $0x180;
	v2 =	vmul.f32 v3, v5;
	(xrf2) =	vadd.scan.msk.f32 $0xffff, v0  }
0x161: {  	s0 =	sand.u32 $0x70, s23;
	s1 =	sand.u32 $0x7C00, s24;
	v0 =	vmul.f32 v1, v6  }
0x162: {  	s20 =	sor.u32 s1, s0;
	(xrf2) =	vadd.scan.msk.f32 $0xffff, v2  }
0x163: {  	(xrf2) =	vadd.scan.msk.f32 $0xffff, v0;
	v0 =	vld [tilespmem:s20+$0x8300];
	_ =	sdelay $0x3  }
0x164: {  	v1 =	vld [tilespmem:s20+$0x300]  }
0x165: {  	v0 =	vcvt.s32.f32 v0;
	_ =	sdelay $0x1  }
0x166: {  	v4, _, _ =	vpop (xrf2)  }
0x167: {  	(v2sf) =	vpush v4, $0xF  }
0x168: {  	s25 =	simm.s32 $0x40;
	s26 =	simm.s32 $0x200;
	v5 =	vmul.f32 v0, v1;
	v0, _, _ =	vpop (xrf2)  }
0x169: {  	s28 =	sand.u32 $0x70, s25;
	s0 =	sand.u32 $0x7C00, s26;
	(v2sf) =	vpush v0, $0xF;
	v1, _, _ =	vpop (xrf2)  }
0x16a: {  	s31 =	spop (v2sf);
	s19 =	sor.u32 s0, s28;
	(v2sf) =	vpush v1, $0xF  }
0x16b: {  	v2 =	vld [tilespmem:s19+$0x8300];
	_ =	sdelay $0x1  }
0x16c: {  	v3 =	vld [tilespmem:s19+$0x300]  }
0x16d: {  	s29 =	simm.s32 $0x50;
	s0 =	simm.s32 $0x280;
	(xrf2) =	vadd.scan.msk.f32 $0xffff, v5  }
0x16e: {  	s1 =	sand.u32 $0x70, s29;
	s30 =	sand.u32 $0x7C00, s0  }
0x16f: {  	s21 =	sor.u32 s30, s1;
	v6 =	vcvt.s32.f32 v2  }
0x170: {  	v2 =	vld [tilespmem:s21+$0x8300]  }
0x171: {  	s14 =	simm.f32 $0.0e+00;
	v5 =	vmul.f32 v6, v3  }
0x172: {  	s7 =	simm.s32 $0x60;
	s4 =	simm.f32 $0.0e+00;
	v3 =	vld [tilespmem:s21+$0x300];
	v4 =	vadd.f32 s14, v4  }
.LBB2_15:
0x173: {  	s1 =	sand.u32 $0x70, s7;
	s0 =	sadd.s32 $0x80, s0;
	(xrf2) =	vadd.scan.msk.f32 $0xffff, v5;
	p0 =	sne.s32 s7, $0xFF0  }
.Ltmp6:
0x174: {  	s7 =	sadd.s32 $0x10, s7;
	s2 =	sand.u32 $0x7C00, s0;
	[tilespmem:s16+$0x10300] =	vst v4;
	(pc) =	sbr.rel @p0 .LBB2_15-.Ltmp6, $4  }
0x175: {  	s16 =	smov.u32 s18;
	s1 =	sor.u32 s2, s1;
	v4 =	vcvt.s32.f32 v2;
	s2 =	spop (v2sf)  }
0x176: {  	s18 =	smov.u32 s17;
	s17 =	smov.u32 s20;
	v2 =	vld [tilespmem:s1+$0x8300];
	s4 =	sadd.f32 s2, s4  }
0x177: {  	s20 =	smov.u32 s19;
	s19 =	smov.u32 s21;
	s21 =	smov.u32 s1;
	v5 =	vmul.f32 v4, v3;
	v6, _, _ =	vpop (xrf2)  }
0x178: {  	v3 =	vld [tilespmem:s21+$0x300];
	(v2sf) =	vpush v6, $0xF;
	v4 =	vadd.f32 s4, v0;
	v0 =	vmovc v1;
	v1 =	vmov v6  }
0x179: {  	(xrf2) =	vadd.scan.msk.f32 $0xffff, v5;
	_ =	sdelay $0x7  }
0x17a: {  	v5, _, _ =	vpop (xrf2)  }
0x17b: {  	(v2sf) =	vpush v5, $0xF  }
0x17c: {  	v6, _, _ =	vpop (xrf2)  }
0x17d: {  	(v2sf) =	vpush v6, $0xF;
	_ =	sdelay $0x2  }
0x17e: {  	v2 =	vcvt.s32.f32 v2;
	_ =	sdelay $0x1  }
0x17f: {  	v2 =	vmul.f32 v2, v3;
	_ =	sdelay $0x1  }
0x180: {  	s0 =	spop (v2sf);
	(xrf2) =	vadd.scan.msk.f32 $0xffff, v2  }
0x181: {  	s0 =	sadd.f32 s0, s4  }
0x182: {  	s1 =	spop (v2sf)  }
0x183: {  	s1 =	sadd.f32 s1, s0  }
0x184: {  	s2 =	spop (v2sf)  }
0x185: {  	s2 =	sadd.f32 s2, s1  }
0x186: {  	v1 =	vadd.f32 s1, v1;
	s7 =	spop (v2sf)  }
0x187: {  	v0 =	vadd.f32 s0, v0;
	s11 =	sadd.f32 s7, s2  }
0x188: {  	[tilespmem:s16+$0x10300] =	vst v4;
	s16 =	spop (v2sf)  }
0x189: {  	[tilespmem:s18+$0x10300] =	vst v0;
	v0 =	vadd.f32 s2, v5;
	s1 =	sadd.f32 s16, s11  }
0x18a: {  	s18 =	sand.u32 $0x7, s15;
	[tilespmem:s17+$0x10300] =	vst v1;
	v1, _, _ =	vpop (xrf2);
	v2 =	vadd.f32 s11, v6  }
0x18b: {  	s0 =	sshll.u32 s18, $0x4;
	[tilespmem:s20+$0x10300] =	vst v0;
	s20 =	simm.s32 $0x1;
	v0 =	vadd.f32 s1, v1  }
0x18c: {  	s0 =	sadd.s32 $0x0, s0;
	[tilespmem:s19+$0x10300] =	vst v2;
	s1 =	sand.u32 $0x7, s20  }
0x18d: {  	s15 =	sor.u32 $0x380, s0;
	s23 =	sshll.u32 s1, $0x4;
	[tilespmem:s21+$0x10300] =	vst v0  }
0x18e: {  	s22 =	simm.s32 $0x2;
	s0 =	sadd.s32 $0x80, s23;
	v0 =	vld [tilespmem:s15+$0x8000]  }
0x18f: {  	s24 =	sand.u32 $0x7, s22;
	v2 =	vld [tilespmem:s15+$0x0];
	s16 =	sor.u32 $0x380, s0  }
0x190: {  	s1 =	sshll.u32 s24, $0x4;
	v3 =	vld [tilespmem:s16+$0x8000]  }
0x191: {  	s25 =	sadd.s32 $0x100, s1  }
0x192: {  	s17 =	sor.u32 $0x380, s25;
	v5 =	vld [tilespmem:s16+$0x0]  }
0x193: {  	v4 =	vld [tilespmem:s17+$0x8000];
	v0 =	vcvt.s32.f32 v0;
	_ =	sdelay $0x1  }
0x194: {  	(v2sf) =	vpush v1, $0xF;
	v6 =	vld [tilespmem:s17+$0x0];
	v1 =	vcvt.s32.f32 v3;
	v0 =	vmul.f32 v0, v2;
	_ =	sdelay $0x1  }
0x195: {  	s26 =	simm.s32 $0x3;
	v1 =	vmul.f32 v1, v5;
	(xrf2) =	vadd.scan.msk.f32 $0xffff, v0  }
0x196: {  	s0 =	sand.u32 $0x7, s26;
	v2 =	vcvt.s32.f32 v4  }
0x197: {  	s0 =	sshll.u32 s0, $0x4;
	(xrf2) =	vadd.scan.msk.f32 $0xffff, v1  }
0x198: {  	s0 =	sadd.s32 $0x180, s0;
	v0 =	vmul.f32 v2, v6  }
0x199: {  	s18 =	sor.u32 $0x380, s0  }
0x19a: {  	(xrf2) =	vadd.scan.msk.f32 $0xffff, v0;
	v0 =	vld [tilespmem:s18+$0x8000];
	_ =	sdelay $0x1  }
0x19b: {  	v1 =	vld [tilespmem:s18+$0x0];
	_ =	sdelay $0x2  }
0x19c: {  	s28 =	simm.s32 $0x4;
	v4 =	vcvt.s32.f32 v0;
	v0, _, _ =	vpop (xrf2)  }
0x19d: {  	s1 =	sand.u32 $0x7, s28;
	(v2sf) =	vpush v0, $0xF  }
0x19e: {  	s29 =	sshll.u32 s1, $0x4;
	v4 =	vmul.f32 v4, v1;
	v1, _, _ =	vpop (xrf2)  }
0x19f: {  	s31 =	spop (v2sf);
	s0 =	sadd.s32 $0x200, s29;
	(v2sf) =	vpush v1, $0xF  }
0x1a0: {  	s19 =	sor.u32 $0x380, s0  }
0x1a1: {  	v2 =	vld [tilespmem:s19+$0x8000]  }
0x1a2: {  	s30 =	simm.s32 $0x5  }
0x1a3: {  	s0 =	sand.u32 $0x7, s30;
	v3 =	vld [tilespmem:s19+$0x0]  }
0x1a4: {  	s0 =	sshll.u32 s0, $0x4;
	(xrf2) =	vadd.scan.msk.f32 $0xffff, v4  }
0x1a5: {  	s0 =	sadd.s32 $0x280, s0  }
0x1a6: {  	s0 =	sor.u32 $0x380, s0;
	v5 =	vcvt.s32.f32 v2  }
0x1a7: {  	v2 =	vld [tilespmem:s0+$0x8000]  }
0x1a8: {  	s4 =	simm.s32 $0x60;
	s7 =	simm.s32 $0x280;
	s11 =	simm.s32 $0x6;
	v4 =	vmul.f32 v5, v3;
	v3, _, _ =	vpop (xrf2)  }
.LBB2_17:
0x1a9: {  	s1 =	sand.u32 $0x7, s11;
	p0 =	sne.s32 s4, $0xFF0;
	s4 =	sadd.s32 $0x10, s4;
	v5 =	vld [tilespmem:s0+$0x0];
	(v2sf) =	vpush v3, $0xF;
	v6 =	vadd.f32 s14, v0;
	v0 =	vmovc v1;
	v1 =	vmov v3  }
.Ltmp7:
0x1aa: {  	s7 =	sadd.s32 $0x80, s7;
	s1 =	sshll.u32 s1, $0x4;
	(xrf2) =	vadd.scan.msk.f32 $0xffff, v4;
	(pc) =	sbr.rel @p0 .LBB2_17-.Ltmp7, $4  }
0x1ab: {  	s1 =	sadd.s32 s1, s7;
	[tilespmem:s15+$0x10000] =	vst v6;
	s15 =	smov.u32 s16;
	s16 =	smov.u32 s17  }
0x1ac: {  	s17 =	smov.u32 s18;
	s1 =	sor.u32 $0x380, s1;
	v6 =	vcvt.s32.f32 v2;
	s2 =	spop (v2sf)  }
0x1ad: {  	s18 =	smov.u32 s19;
	s19 =	smov.u32 s0;
	v2 =	vld [tilespmem:s1+$0x8000];
	s14 =	sadd.f32 s2, s14  }
0x1ae: {  	s11 =	sadd.s32 $0x1, s11;
	s0 =	smov.u32 s1;
	v4 =	vmul.f32 v6, v5;
	v3, _, _ =	vpop (xrf2)  }
0x1af: {  	v5 =	vld [tilespmem:s0+$0x0]  }
0x1b0: {  	(xrf2) =	vadd.scan.msk.f32 $0xffff, v4;
	_ =	sdelay $0x1  }
0x1b1: {  	v2 =	vcvt.s32.f32 v2;
	_ =	sdelay $0x1  }
0x1b2: {  	v2 =	vmul.f32 v2, v5;
	_ =	sdelay $0x1  }
0x1b3: {  	(xrf2) =	vadd.scan.msk.f32 $0xffff, v2  }
0x1b4: {  	(v2sf) =	vpush v3, $0xF  }
0x1b5: {  	v58, _, _ =	vpop (xrf2)  }
0x1b6: {  	(v2sf) =	vpush v58, $0xF  }
0x1b7: {  	v4, _, _ =	vpop (xrf2)  }
0x1b8: {  	(v2sf) =	vpush v4, $0xF;
	_ =	sdelay $0x4  }
0x1b9: {  	v59, _, _ =	vpop (xrf2)  }
0x1ba: {  	(v2sf) =	vpush v59, $0xF  }
0x1bb: {  	s1 =	spop (v2sf)  }
0x1bc: {  	s1 =	sadd.f32 s1, s14  }
0x1bd: {  	s2 =	spop (v2sf)  }
0x1be: {  	s2 =	sadd.f32 s2, s1  }
0x1bf: {  	s4 =	spop (v2sf)  }
0x1c0: {  	s4 =	sadd.f32 s4, s2  }
0x1c1: {  	v0 =	vadd.f32 s14, v0;
	s7 =	spop (v2sf)  }
0x1c2: {  	v1 =	vadd.f32 s1, v1;
	s29 =	sadd.f32 s7, s4  }
0x1c3: {  	[tilespmem:s15+$0x10000] =	vst v0;
	v60 =	vadd.f32 s2, v3;
	s30 =	spop (v2sf)  }
0x1c4: {  	[tilespmem:s16+$0x10000] =	vst v1;
	v61 =	vadd.f32 s4, v58;
	s2 =	sadd.f32 s30, s29  }
0x1c5: {  	[tilespmem:s17+$0x10000] =	vst v60;
	v62 =	vadd.f32 s29, v4  }
0x1c6: {  	[tilespmem:s18+$0x10000] =	vst v61;
	v63 =	vadd.f32 s2, v59  }
0x1c7: {  	s12 =	sadd.s32 $0x1, s12;
	[tilespmem:s19+$0x10000] =	vst v62  }
0x1c8: {  	p0 =	sne.s32 s12, $0x10;
	[tilespmem:s0+$0x10000] =	vst v63;
	s0 =	rddreg [dreg:$0x2]  }
.Ltmp8:
0x1c9: {  	s31 =	spop (v2sf);
	s0 =	sadd.s32 s0, s13;
	(pc) =	sbr.rel @p0 .LBB2_2-.Ltmp8, $4  }
0x1ca: {  	[hbm4b:s0+s3] =	stream.linear.scatter [tilespmem:s10], [sflag:$0x1], $0x8000, $0x38;
	[tilespmem:$0x18000] =	vst v63  }
0x1cb: {  	_ =	swait.ge [sflag:s8], $0x8000  }
0x1cc: {  	[sflag:s8] =	ssyncset.done $0x0  }
0x1cd: {  	[sflag:s8] =	ssyncadd.s32 $0xFFFF8000  }
0x1ce: {  	s1 =	rddreg [dreg:$0x5]  }
0x1cf: {  	s0 =	rddreg [dreg:$0x4];
	s1 =	sadd.s32 $0x1, s1  }
0x1d0: {  	p0 =	sne.s32 s1, s0  }
.Ltmp9:
0x1d1: {  	_ = 	snop;
	(pc) =	sbr.rel @p0 .LBB2_1-.Ltmp9, $1  }
0x1d2: {  	_ =	sdelay $0x3  }
0x1d3: {  	_ =	sfence.sel $0x180000  }
0x1d4: {  	[bflag:$0x0] =	sbarrier.arrive $0xFFFF  }
0x1d5: {  	_ =	strace $0x90000047  }
0x1d6: {  	s0 =	stileid.u32;
	[bflag:$0x2] =	sbarrier.arrive $0xFFFF  }
0x1d7: {  	p0 =	sne.s32 s0, $0x0;
	s0 =	rddreg [dreg:$0x3]  }
0x1d8: {  	s0 =	sadd.s32 @!p0 $0x100000, s0  }
0x1d9: {  	[sflag:s0] =	ssyncadd.tile.s32 @!p0 $0x1;
	_ =	shalt  }
.Lfunc_end2:
_tile_overlayer_lowered:
.L_overlay_start_2:
0x1da: {  	(tag) =	ssettag $0x2  }
0x1db: {  	s0 =	rddreg [dreg:$0x0];
	s2 =	stileid.u32  }
0x1dc: {  	s1 =	rddreg [dreg:$0x1];
	p0 =	sne.s32 s2, $0x0  }
0x1dd: {  	s3 =	rddreg [dreg:$0x2];
	[bflag:$0x3] =	sbarrier.arrive $0xFFFF;
	s2 =	simm.s32 @!p0 $0x1C01  }
0x1de: {  	[timem:s3], [sflag:s2] =	dma.local @!p0 [hbm:s0], s1  }
0x1df: {  	s0 =	simm.s32 @!p0 $0x1  }
0x1e0: {  	_ =	swait.ge @!p0 [sflag:s0], s1  }
0x1e1: {  	s1 =	ssub.s32 @!p0 $0x0, s1;
	[sflag:s0] =	ssyncset.done @!p0 $0x0  }
0x1e2: {  	[sflag:s0] =	ssyncadd.s32 @!p0 s1  }
0x1e3: {  	[bflag:$0x3] =	sbarrier.arrive $0xFFFF  }
0x1e4: {  	_ =	shalt  }

</sc_bundles>
